<compile_context>
chip_gen: v7x
topology: tpu7x:2x2x1
jax: 0.10.2.dev20260603
libtpu: 0.0.44.dev20260713+nightly
codegen_flags: <defaults>
</compile_context>

<pallas_src>
import functools

import jax
import jax.numpy as jnp
from jax import lax
from jax.experimental import pallas as pl
from jax.experimental.pallas import tpu as pltpu
from jax.experimental.pallas import tpu_sc as plsc

_N = 10000
_E = 160000
_H = 256
_G = 128
_MID = 32
_OUT = 64
_HALF = 128
_NSUB = 16
_ECHUNKS = _E // 256
_ROWS_PER_SUB = 624
_TAIL = _N - _NSUB * _ROWS_PER_SUB
_CHUNKS_PER_SUB = -(-_ECHUNKS // _NSUB)
_EPS = 1e-5



def _sc_segsum_body(h_hbm, col_hbm, row_hbm, out_hbm,
                    acc_sh, colidx_v, rowidx_v, rows_v):
    c = lax.axis_index("c")
    s = lax.axis_index("s")

    pltpu.sync_copy(h_hbm.at[pl.ds(c * _N + s * _ROWS_PER_SUB, _ROWS_PER_SUB)],
                    acc_sh.at[pl.ds(s * _ROWS_PER_SUB, _ROWS_PER_SUB)])

    @pl.when(s == _NSUB - 1)
    def _():
        pltpu.sync_copy(h_hbm.at[pl.ds(c * _N + _NSUB * _ROWS_PER_SUB, _TAIL)],
                        acc_sh.at[pl.ds(_NSUB * _ROWS_PER_SUB, _TAIL)])

    plsc.subcore_barrier()

    @pl.loop(0, _CHUNKS_PER_SUB)
    def _edge_chunk(k):
        r = s + _NSUB * k

        @pl.when(r < _ECHUNKS)
        def _():
            pltpu.sync_copy(col_hbm.at[pl.ds(c * _E + r * 256, 256)], colidx_v)
            pltpu.sync_copy(row_hbm.at[pl.ds(r * 256, 256)], rowidx_v)
            pltpu.sync_copy(h_hbm.at[colidx_v], rows_v)
            pltpu.sync_copy(rows_v, acc_sh.at[rowidx_v], add=True)

    plsc.subcore_barrier()
    pltpu.sync_copy(acc_sh.at[pl.ds(s * _ROWS_PER_SUB, _ROWS_PER_SUB)],
                    out_hbm.at[pl.ds(c * _N + s * _ROWS_PER_SUB, _ROWS_PER_SUB)])

    @pl.when(s == _NSUB - 1)
    def _():
        pltpu.sync_copy(acc_sh.at[pl.ds(_NSUB * _ROWS_PER_SUB, _TAIL)],
                        out_hbm.at[pl.ds(c * _N + _NSUB * _ROWS_PER_SUB, _TAIL)])


@functools.cache
def _get_sc_segsum():
    return functools.partial(
        pl.kernel,
        out_type=jax.ShapeDtypeStruct((2 * _N, _HALF), jnp.float32),
        mesh=plsc.VectorSubcoreMesh(core_axis_name="c", subcore_axis_name="s"),
        scratch_types=[
            pltpu.VMEM_SHARED((_N, _HALF), jnp.float32),
            pltpu.VMEM((256,), jnp.int32),
            pltpu.VMEM((256,), jnp.int32),
            pltpu.VMEM((256, _HALF), jnp.float32),
        ],
    )(_sc_segsum_body)



def _stage(xl, xr, w_ref, b_ref, g_ref, be_ref):
    out = []
    for j in range(2):
        sl = slice(j * _HALF, (j + 1) * _HALF)
        y = (jnp.dot(xl, w_ref[:_HALF, sl], preferred_element_type=jnp.float32)
             + jnp.dot(xr, w_ref[_HALF:, sl], preferred_element_type=jnp.float32)
             + b_ref[:, sl])
        m = jnp.mean(y, axis=0, keepdims=True)
        v = jnp.mean((y - m) ** 2, axis=0, keepdims=True)
        hn = (y - m) / jnp.sqrt(v + _EPS) * g_ref[:, sl] + be_ref[:, sl]
        out.append(jnp.maximum(hn, 0.0))
    return out


def _mlp_layer_body(x_ref, w1_ref, b1_ref, g1_ref, be1_ref,
                    w2_ref, b2_ref, g2_ref, be2_ref, o_ref):
    tl, tr = _stage(x_ref[:_N], x_ref[_N:], w1_ref, b1_ref, g1_ref, be1_ref)
    hl, hr = _stage(tl, tr, w2_ref, b2_ref, g2_ref, be2_ref)
    o_ref[:_N] = hl
    o_ref[_N:] = hr


_mlp_layer = pl.pallas_call(
    _mlp_layer_body,
    out_shape=jax.ShapeDtypeStruct((2 * _N, _HALF), jnp.float32),
)


def _pool_mm(m, left, right, w_ref):
    dn = (((0,), (0,)), ((), ()))
    pleft = lax.dot_general(m, left, dn, preferred_element_type=jnp.float32)
    pright = lax.dot_general(m, right, dn, preferred_element_type=jnp.float32)
    return (jnp.dot(pleft, w_ref[:_HALF], preferred_element_type=jnp.float32)
            + jnp.dot(pright, w_ref[_HALF:], preferred_element_type=jnp.float32))


def _onehot(batch_ref):
    gi = lax.broadcasted_iota(jnp.int32, (1, _G), 1)
    return (batch_ref[...] == gi).astype(jnp.float32)


def _pool0_body(xst_ref, batch_ref, wp0_ref, bp0_ref, o_ref):
    m = _onehot(batch_ref)
    o_ref[...] = _pool_mm(m, xst_ref[:_N], xst_ref[_N:], wp0_ref) + bp0_ref[...]


_pool0 = pl.pallas_call(
    _pool0_body,
    out_shape=jax.ShapeDtypeStruct((_G, _MID), jnp.float32),
)


def _last_layer_pool_body(x_ref, w1_ref, b1_ref, g1_ref, be1_ref,
                          w2_ref, b2_ref, g2_ref, be2_ref,
                          p0_ref, batch_ref,
                          wp3_ref, bp3_ref, wo_ref, bo_ref,
                          o_ref):
    tl, tr = _stage(x_ref[:_N], x_ref[_N:], w1_ref, b1_ref, g1_ref, be1_ref)
    hl, hr = _stage(tl, tr, w2_ref, b2_ref, g2_ref, be2_ref)

    m = _onehot(batch_ref)
    oh = p0_ref[...] + _pool_mm(m, hl, hr, wp3_ref) + bp3_ref[...]
    oh = jnp.maximum(oh, 0.0)
    o_ref[...] = jnp.dot(oh, wo_ref[...],
                         preferred_element_type=jnp.float32) + bo_ref[...]


_last_layer_pool = pl.pallas_call(
    _last_layer_pool_body,
    out_shape=jax.ShapeDtypeStruct((_G, _OUT), jnp.float32),
)



def kernel(x, edge_index, batch, atten_edge_index,
           l0_W1, l0_b1, l0_g1, l0_be1, l0_W2, l0_b2, l0_g2, l0_be2,
           l1_W1, l1_b1, l1_g1, l1_be1, l1_W2, l1_b2, l1_g2, l1_be2,
           l2_W1, l2_b1, l2_g1, l2_be1, l2_W2, l2_b2, l2_g2, l2_be2,
           Wp0, bp0, Wp3, bp3, Wo, bo):
    del atten_edge_index
    row = edge_index[0]
    col = jnp.concatenate([edge_index[1], edge_index[1] + _N])
    x_st = jnp.concatenate([x[:, :_HALF], x[:, _HALF:]], axis=0)
    batch2 = batch.reshape(_N, 1)

    layers = [
        (l0_W1, l0_b1, l0_g1, l0_be1, l0_W2, l0_b2, l0_g2, l0_be2),
        (l1_W1, l1_b1, l1_g1, l1_be1, l1_W2, l1_b2, l1_g2, l1_be2),
        (l2_W1, l2_b1, l2_g1, l2_be1, l2_W2, l2_b2, l2_g2, l2_be2),
    ]

    def r1(v):
        return v.reshape(1, -1)

    sc_segsum = _get_sc_segsum()
    p0 = _pool0(x_st, batch2, Wp0, r1(bp0))
    h_st = x_st
    for (W1, b1, g1, be1, W2, b2, g2, be2) in layers[:2]:
        a_st = sc_segsum(h_st, col, row)
        h_st = _mlp_layer(a_st, W1, r1(b1), r1(g1), r1(be1),
                          W2, r1(b2), r1(g2), r1(be2))

    (W1, b1, g1, be1, W2, b2, g2, be2) = layers[2]
    a_st = sc_segsum(h_st, col, row)
    return _last_layer_pool(a_st, W1, r1(b1), r1(g1), r1(be1),
                            W2, r1(b2), r1(g2), r1(be2),
                            p0, batch2,
                            Wp3, r1(bp3), Wo, r1(bo))

# --- scband reference (transcript-rebuilt; emitter-appended) ---
"""Pipeline reference for scband-bga-69191923138904 (READ-ONLY COPY).

The authoritative reference and input builder live on the scoring server;
editing this copy changes nothing except your own understanding.
"""

import jax, jax.numpy as jnp
import numpy as np

N = 10000
E = 160000
D = 256
H = 256
G = 128
MID = 32
OUT = 64


def setup_inputs(seed: int = 0):
    key = jax.random.key(seed)
    ks = jax.random.split(key, 40)
    inp = {}
    inp["x"] = jax.random.normal(ks[0], (N, D), dtype=jnp.float32)
    inp["edge_index"] = jax.random.randint(ks[1], (2, E), 0, N, dtype=jnp.int32)
    inp["batch"] = jnp.sort(jax.random.randint(ks[2], (N,), 0, G, dtype=jnp.int32))
    inp["atten_edge_index"] = jax.random.randint(ks[3], (2, E), 0, N, dtype=jnp.int32)
    k = 4
    for i in range(3):
        din = D if i == 0 else H
        inp["l%d_W1" % i] = jax.random.normal(ks[k], (din, H), dtype=jnp.float32) * 0.02; k += 1
        inp["l%d_b1" % i] = jnp.zeros((H,), dtype=jnp.float32)
        inp["l%d_g1" % i] = jnp.ones((H,), dtype=jnp.float32)
        inp["l%d_be1" % i] = jnp.zeros((H,), dtype=jnp.float32)
        inp["l%d_W2" % i] = jax.random.normal(ks[k], (H, H), dtype=jnp.float32) * 0.02; k += 1
        inp["l%d_b2" % i] = jnp.zeros((H,), dtype=jnp.float32)
        inp["l%d_g2" % i] = jnp.ones((H,), dtype=jnp.float32)
        inp["l%d_be2" % i] = jnp.zeros((H,), dtype=jnp.float32)
    inp["Wp0"] = jax.random.normal(ks[k], (D, MID), dtype=jnp.float32) * 0.02; k += 1
    inp["bp0"] = jnp.zeros((MID,), dtype=jnp.float32)
    inp["Wp3"] = jax.random.normal(ks[k], (H, MID), dtype=jnp.float32) * 0.02; k += 1
    inp["bp3"] = jnp.zeros((MID,), dtype=jnp.float32)
    inp["Wo"] = jax.random.normal(ks[k], (MID, OUT), dtype=jnp.float32) * 0.02; k += 1
    inp["bo"] = jnp.zeros((OUT,), dtype=jnp.float32)
    return inp


def _bn(h, g, b, eps=1e-5):
    m = jnp.mean(h, axis=0)
    v = jnp.var(h, axis=0)
    return (h - m) / jnp.sqrt(v + eps) * g + b


def reference(x, edge_index, batch, atten_edge_index,
              l0_W1, l0_b1, l0_g1, l0_be1, l0_W2, l0_b2, l0_g2, l0_be2,
              l1_W1, l1_b1, l1_g1, l1_be1, l1_W2, l1_b2, l1_g2, l1_be2,
              l2_W1, l2_b1, l2_g1, l2_be1, l2_W2, l2_b2, l2_g2, l2_be2,
              Wp0, bp0, Wp3, bp3, Wo, bo):
    layers = [
        (l0_W1, l0_b1, l0_g1, l0_be1, l0_W2, l0_b2, l0_g2, l0_be2),
        (l1_W1, l1_b1, l1_g1, l1_be1, l1_W2, l1_b2, l1_g2, l1_be2),
        (l2_W1, l2_b1, l2_g1, l2_be1, l2_W2, l2_b2, l2_g2, l2_be2),
    ]
    row = edge_index[0]
    col = edge_index[1]
    h = x
    hidden_rep = [h]
    for (W1, b1, g1, be1, W2, b2, g2, be2) in layers:
        # GPNConv: scatter_add of neighbor features into dst rows, residual, then MLP
        agg = jax.ops.segment_sum(h[col], row, num_segments=N)
        out = h + agg
        # MLP(num_layers=2): linear -> BN -> relu -> linear
        out = jax.nn.relu(_bn(out @ W1 + b1, g1, be1))
        out = out @ W2 + b2
        # BGA outer BatchNorm + relu
        h = jax.nn.relu(_bn(out, g2, be2))
        hidden_rep.append(h)
    # global_add_pool on layer 0 and last layer only
    pool0 = jax.ops.segment_sum(hidden_rep[0], batch, num_segments=G)
    pool_last = jax.ops.segment_sum(hidden_rep[-1], batch, num_segments=G)
    output_h = (pool0 @ Wp0 + bp0) + (pool_last @ Wp3 + bp3)
    output_h = jax.nn.relu(output_h)
    outputs = output_h @ Wo + bo
    return outputs

if __name__ == "__main__":
    import jax
    _d = setup_inputs()
    print(jax.jit(kernel)(*tuple(_d.values())))

</pallas_src>

<mosaic_0001>
#map = affine_map<(d0, d1) -> (0, 0)>
#map1 = affine_map<(d0, d1) -> (0)>
module attributes {stable_mosaic.version = 14 : i64} {
  func.func @_sc_segsum_body(%arg0: i32, %arg1: i32, %arg2: memref<20000x128xf32, #tpu.memory_space<hbm>>, %arg3: memref<320000xi32, #tpu.memory_space<hbm>>, %arg4: memref<160000xi32, #tpu.memory_space<hbm>>, %arg5: memref<20000x128xf32, #tpu.memory_space<hbm>>, %arg6: memref<10000x128xf32, #tpu.memory_space<vmem_shared>>, %arg7: memref<256xi32, #tpu.memory_space<vmem>>, %arg8: memref<256xi32, #tpu.memory_space<vmem>>, %arg9: memref<256x128xf32, #tpu.memory_space<vmem>>) attributes {dimension_semantics = [#tpu.dimension_semantics<core_parallel>, #tpu.dimension_semantics<subcore_parallel>], iteration_bounds = array<i64: 2, 16>, scalar_prefetch = 0 : i64, scratch_operands = 4 : i64, tpu.core_type = #tpu.core_type<sc_vector_subcore>, window_params = [{transform_indices = #map}, {transform_indices = #map1}, {transform_indices = #map1}, {transform_indices = #map}]} {
    %mul3A = arith.constant 10000 : i32
    %mul3A_0 = arith.muli %arg0, %mul3A : i32
    %mul3A_1 = arith.constant 624 : i32
    %mul3A_2 = arith.muli %arg1, %mul3A_1 : i32
    %add3A = arith.addi %mul3A_0, %mul3A_2 : i32
    %mul3A_3 = arith.constant 624 : i32
    %mul3A_4 = arith.muli %arg1, %mul3A_3 : i32
    "tpu.region"() ({
      %run_scoped3A = tpu.sem_alloc : memref<!tpu.dma_semaphore, #tpu.memory_space<semaphore_mem>>
      %dma_start3A = arith.constant 0 : i32
      %dma_start3A_24 = tpu.memref_slice %arg6[%mul3A_4, %dma_start3A] : memref<10000x128xf32, #tpu.memory_space<vmem_shared>> -> memref<624x128xf32, #tpu.memory_space<vmem_shared>>
      %dma_start3A_25 = arith.constant 0 : i32
      %dma_start3A_26 = tpu.memref_slice %arg2[%add3A, %dma_start3A_25] : memref<20000x128xf32, #tpu.memory_space<hbm>> -> memref<624x128xf32, #tpu.memory_space<hbm>>
      tpu.enqueue_dma source(%dma_start3A_26 : memref<624x128xf32, #tpu.memory_space<hbm>>) target(%dma_start3A_24 : memref<624x128xf32, #tpu.memory_space<vmem_shared>>) target_semaphore(%run_scoped3A : memref<!tpu.dma_semaphore, #tpu.memory_space<semaphore_mem>>)
      %dma_wait3A = arith.constant 0 : i32
      %dma_wait3A_27 = tpu.memref_slice %arg6[%mul3A_4, %dma_wait3A] : memref<10000x128xf32, #tpu.memory_space<vmem_shared>> -> memref<624x128xf32, #tpu.memory_space<vmem_shared>>
      %dma_wait3A_28 = arith.constant 0 : i32
      %dma_wait3A_29 = tpu.memref_slice %arg2[%add3A, %dma_wait3A_28] : memref<20000x128xf32, #tpu.memory_space<hbm>> -> memref<624x128xf32, #tpu.memory_space<hbm>>
      tpu.wait_dma2 semaphore(%run_scoped3A : memref<!tpu.dma_semaphore, #tpu.memory_space<semaphore_mem>>) src(%dma_wait3A_29 : memref<624x128xf32, #tpu.memory_space<hbm>>) dst(%dma_wait3A_27 : memref<624x128xf32, #tpu.memory_space<vmem_shared>>)
      tpu.yield
    }) : () -> ()
    %eq3A = arith.constant 15 : i32
    %eq3A_5 = arith.cmpi eq, %arg1, %eq3A : i32
    %convert_element_type3A = arith.extui %eq3A_5 : i1 to i32
    %cond3A = arith.constant 0 : i32
    %cond3A_6 = arith.cmpi ne, %convert_element_type3A, %cond3A : i32
    scf.if %cond3A_6 {
      %mul3A_24 = arith.constant 10000 : i32
      %mul3A_25 = arith.muli %arg0, %mul3A_24 : i32
      %add3A_26 = arith.constant 9984 : i32
      %add3A_27 = arith.addi %mul3A_25, %add3A_26 : i32
      "tpu.region"() ({
        %run_scoped3A = tpu.sem_alloc : memref<!tpu.dma_semaphore, #tpu.memory_space<semaphore_mem>>
        %dma_start3A = arith.constant 9984 : i32
        %dma_start3A_28 = arith.constant 0 : i32
        %dma_start3A_29 = tpu.memref_slice %arg6[%dma_start3A, %dma_start3A_28] : memref<10000x128xf32, #tpu.memory_space<vmem_shared>> -> memref<16x128xf32, #tpu.memory_space<vmem_shared>>
        %dma_start3A_30 = arith.constant 0 : i32
        %dma_start3A_31 = tpu.memref_slice %arg2[%add3A_27, %dma_start3A_30] : memref<20000x128xf32, #tpu.memory_space<hbm>> -> memref<16x128xf32, #tpu.memory_space<hbm>>
        tpu.enqueue_dma source(%dma_start3A_31 : memref<16x128xf32, #tpu.memory_space<hbm>>) target(%dma_start3A_29 : memref<16x128xf32, #tpu.memory_space<vmem_shared>>) target_semaphore(%run_scoped3A : memref<!tpu.dma_semaphore, #tpu.memory_space<semaphore_mem>>)
        %dma_wait3A = arith.constant 9984 : i32
        %dma_wait3A_32 = arith.constant 0 : i32
        %dma_wait3A_33 = tpu.memref_slice %arg6[%dma_wait3A, %dma_wait3A_32] : memref<10000x128xf32, #tpu.memory_space<vmem_shared>> -> memref<16x128xf32, #tpu.memory_space<vmem_shared>>
        %dma_wait3A_34 = arith.constant 0 : i32
        %dma_wait3A_35 = tpu.memref_slice %arg2[%add3A_27, %dma_wait3A_34] : memref<20000x128xf32, #tpu.memory_space<hbm>> -> memref<16x128xf32, #tpu.memory_space<hbm>>
        tpu.wait_dma2 semaphore(%run_scoped3A : memref<!tpu.dma_semaphore, #tpu.memory_space<semaphore_mem>>) src(%dma_wait3A_35 : memref<16x128xf32, #tpu.memory_space<hbm>>) dst(%dma_wait3A_33 : memref<16x128xf32, #tpu.memory_space<vmem_shared>>)
        tpu.yield
      }) : () -> ()
    } else {
    }
    %barrier3A = arith.constant 0 : index
    tpu.barrier barrier_id(%barrier3A)
    %scan3A = arith.constant 0 : i32
    %scan3A_7 = arith.constant 40 : i32
    %scan3A_8 = arith.addi %scan3A, %scan3A_7 : i32
    %scan3A_9 = arith.constant 1 : i32
    scf.for %scan3A_24 = %scan3A to %scan3A_8 step %scan3A_9  : i32 {
      %mul3A_25 = arith.constant 1 : i32
      %mul3A_26 = arith.muli %scan3A_24, %mul3A_25 : i32
      %add3A_27 = arith.constant 0 : i32
      %add3A_28 = arith.addi %add3A_27, %mul3A_26 : i32
      %mul3A_29 = arith.constant 16 : i32
      %mul3A_30 = arith.muli %mul3A_29, %add3A_28 : i32
      %add3A_31 = arith.addi %arg1, %mul3A_30 : i32
      %lt3A = arith.constant 625 : i32
      %lt3A_32 = arith.cmpi slt, %add3A_31, %lt3A : i32
      %convert_element_type3A_33 = arith.extui %lt3A_32 : i1 to i32
      %cond3A_34 = arith.constant 0 : i32
      %cond3A_35 = arith.cmpi ne, %convert_element_type3A_33, %cond3A_34 : i32
      scf.if %cond3A_35 {
        %mul3A_36 = arith.constant 160000 : i32
        %mul3A_37 = arith.muli %arg0, %mul3A_36 : i32
        %mul3A_38 = arith.constant 256 : i32
        %mul3A_39 = arith.muli %add3A_31, %mul3A_38 : i32
        %add3A_40 = arith.addi %mul3A_37, %mul3A_39 : i32
        "tpu.region"() ({
          %run_scoped3A = tpu.sem_alloc : memref<!tpu.dma_semaphore, #tpu.memory_space<semaphore_mem>>
          %dma_start3A = tpu.memref_slice %arg3[%add3A_40] : memref<320000xi32, #tpu.memory_space<hbm>> -> memref<256xi32, #tpu.memory_space<hbm>>
          %dma_start3A_43 = tpu.memref_slice %arg3[%add3A_40] : memref<320000xi32, #tpu.memory_space<hbm>> -> memref<256xi32, #tpu.memory_space<hbm>>
          tpu.enqueue_dma source(%dma_start3A_43 : memref<256xi32, #tpu.memory_space<hbm>>) target(%arg7 : memref<256xi32, #tpu.memory_space<vmem>>) target_semaphore(%run_scoped3A : memref<!tpu.dma_semaphore, #tpu.memory_space<semaphore_mem>>)
          %dma_wait3A = tpu.memref_slice %arg3[%add3A_40] : memref<320000xi32, #tpu.memory_space<hbm>> -> memref<256xi32, #tpu.memory_space<hbm>>
          %dma_wait3A_44 = tpu.memref_slice %arg3[%add3A_40] : memref<320000xi32, #tpu.memory_space<hbm>> -> memref<256xi32, #tpu.memory_space<hbm>>
          tpu.wait_dma2 semaphore(%run_scoped3A : memref<!tpu.dma_semaphore, #tpu.memory_space<semaphore_mem>>) src(%dma_wait3A_44 : memref<256xi32, #tpu.memory_space<hbm>>) dst(%arg7 : memref<256xi32, #tpu.memory_space<vmem>>)
          tpu.yield
        }) : () -> ()
        %mul3A_41 = arith.constant 256 : i32
        %mul3A_42 = arith.muli %add3A_31, %mul3A_41 : i32
        "tpu.region"() ({
          %run_scoped3A = tpu.sem_alloc : memref<!tpu.dma_semaphore, #tpu.memory_space<semaphore_mem>>
          %dma_start3A = tpu.memref_slice %arg4[%mul3A_42] : memref<160000xi32, #tpu.memory_space<hbm>> -> memref<256xi32, #tpu.memory_space<hbm>>
          %dma_start3A_43 = tpu.memref_slice %arg4[%mul3A_42] : memref<160000xi32, #tpu.memory_space<hbm>> -> memref<256xi32, #tpu.memory_space<hbm>>
          tpu.enqueue_dma source(%dma_start3A_43 : memref<256xi32, #tpu.memory_space<hbm>>) target(%arg8 : memref<256xi32, #tpu.memory_space<vmem>>) target_semaphore(%run_scoped3A : memref<!tpu.dma_semaphore, #tpu.memory_space<semaphore_mem>>)
          %dma_wait3A = tpu.memref_slice %arg4[%mul3A_42] : memref<160000xi32, #tpu.memory_space<hbm>> -> memref<256xi32, #tpu.memory_space<hbm>>
          %dma_wait3A_44 = tpu.memref_slice %arg4[%mul3A_42] : memref<160000xi32, #tpu.memory_space<hbm>> -> memref<256xi32, #tpu.memory_space<hbm>>
          tpu.wait_dma2 semaphore(%run_scoped3A : memref<!tpu.dma_semaphore, #tpu.memory_space<semaphore_mem>>) src(%dma_wait3A_44 : memref<256xi32, #tpu.memory_space<hbm>>) dst(%arg8 : memref<256xi32, #tpu.memory_space<vmem>>)
          tpu.yield
        }) : () -> ()
        "tpu.region"() ({
          %run_scoped3A = tpu.sem_alloc : memref<!tpu.dma_semaphore, #tpu.memory_space<semaphore_mem>>
          %dma_start3A = arith.constant 0 : i32
          %dma_start3A_43 = arith.constant 0 : i32
          %dma_start3A_44 = tpu.memref_slice %arg2[%dma_start3A, %dma_start3A_43] : memref<20000x128xf32, #tpu.memory_space<hbm>> -> memref<20000x128xf32, #tpu.memory_space<hbm>>
          tpu.enqueue_indirect_dma source(%dma_start3A_44 : memref<20000x128xf32, #tpu.memory_space<hbm>>) target(%arg9 : memref<256x128xf32, #tpu.memory_space<vmem>>) offsets(%arg7 : memref<256xi32, #tpu.memory_space<vmem>>) semaphore(%run_scoped3A : memref<!tpu.dma_semaphore, #tpu.memory_space<semaphore_mem>>)
          %dma_wait3A = arith.constant 0 : i32
          %dma_wait3A_45 = arith.constant 0 : i32
          %dma_wait3A_46 = tpu.memref_slice %arg2[%dma_wait3A, %dma_wait3A_45] : memref<20000x128xf32, #tpu.memory_space<hbm>> -> memref<20000x128xf32, #tpu.memory_space<hbm>>
          tpu.wait_indirect_dma semaphore(%run_scoped3A : memref<!tpu.dma_semaphore, #tpu.memory_space<semaphore_mem>>) src(%dma_wait3A_46 : memref<20000x128xf32, #tpu.memory_space<hbm>>) dst(%arg9 : memref<256x128xf32, #tpu.memory_space<vmem>>)
          tpu.yield
        }) : () -> ()
        "tpu.region"() ({
          %run_scoped3A = tpu.sem_alloc : memref<!tpu.dma_semaphore, #tpu.memory_space<semaphore_mem>>
          %dma_start3A = arith.constant 0 : i32
          %dma_start3A_43 = arith.constant 0 : i32
          %dma_start3A_44 = tpu.memref_slice %arg6[%dma_start3A, %dma_start3A_43] : memref<10000x128xf32, #tpu.memory_space<vmem_shared>> -> memref<10000x128xf32, #tpu.memory_space<vmem_shared>>
          tpu.enqueue_indirect_dma source(%arg9 : memref<256x128xf32, #tpu.memory_space<vmem>>) target(%dma_start3A_44 : memref<10000x128xf32, #tpu.memory_space<vmem_shared>>) offsets(%arg8 : memref<256xi32, #tpu.memory_space<vmem>>) semaphore(%run_scoped3A : memref<!tpu.dma_semaphore, #tpu.memory_space<semaphore_mem>>) {add = true}
          %dma_wait3A = arith.constant 0 : i32
          %dma_wait3A_45 = arith.constant 0 : i32
          %dma_wait3A_46 = tpu.memref_slice %arg6[%dma_wait3A, %dma_wait3A_45] : memref<10000x128xf32, #tpu.memory_space<vmem_shared>> -> memref<10000x128xf32, #tpu.memory_space<vmem_shared>>
          tpu.wait_indirect_dma semaphore(%run_scoped3A : memref<!tpu.dma_semaphore, #tpu.memory_space<semaphore_mem>>) src(%arg9 : memref<256x128xf32, #tpu.memory_space<vmem>>) dst(%dma_wait3A_46 : memref<10000x128xf32, #tpu.memory_space<vmem_shared>>)
          tpu.yield
        }) : () -> ()
      } else {
      }
    }
    %scan3A_10 = arith.constant 40 : i32
    %barrier3A_11 = arith.constant 0 : index
    tpu.barrier barrier_id(%barrier3A_11)
    %mul3A_12 = arith.constant 624 : i32
    %mul3A_13 = arith.muli %arg1, %mul3A_12 : i32
    %mul3A_14 = arith.constant 10000 : i32
    %mul3A_15 = arith.muli %arg0, %mul3A_14 : i32
    %mul3A_16 = arith.constant 624 : i32
    %mul3A_17 = arith.muli %arg1, %mul3A_16 : i32
    %add3A_18 = arith.addi %mul3A_15, %mul3A_17 : i32
    "tpu.region"() ({
      %run_scoped3A = tpu.sem_alloc : memref<!tpu.dma_semaphore, #tpu.memory_space<semaphore_mem>>
      %dma_start3A = arith.constant 0 : i32
      %dma_start3A_24 = tpu.memref_slice %arg5[%add3A_18, %dma_start3A] : memref<20000x128xf32, #tpu.memory_space<hbm>> -> memref<624x128xf32, #tpu.memory_space<hbm>>
      %dma_start3A_25 = arith.constant 0 : i32
      %dma_start3A_26 = tpu.memref_slice %arg6[%mul3A_13, %dma_start3A_25] : memref<10000x128xf32, #tpu.memory_space<vmem_shared>> -> memref<624x128xf32, #tpu.memory_space<vmem_shared>>
      tpu.enqueue_dma source(%dma_start3A_26 : memref<624x128xf32, #tpu.memory_space<vmem_shared>>) target(%dma_start3A_24 : memref<624x128xf32, #tpu.memory_space<hbm>>) target_semaphore(%run_scoped3A : memref<!tpu.dma_semaphore, #tpu.memory_space<semaphore_mem>>)
      %dma_wait3A = arith.constant 0 : i32
      %dma_wait3A_27 = tpu.memref_slice %arg5[%add3A_18, %dma_wait3A] : memref<20000x128xf32, #tpu.memory_space<hbm>> -> memref<624x128xf32, #tpu.memory_space<hbm>>
      %dma_wait3A_28 = arith.constant 0 : i32
      %dma_wait3A_29 = tpu.memref_slice %arg6[%mul3A_13, %dma_wait3A_28] : memref<10000x128xf32, #tpu.memory_space<vmem_shared>> -> memref<624x128xf32, #tpu.memory_space<vmem_shared>>
      tpu.wait_dma2 semaphore(%run_scoped3A : memref<!tpu.dma_semaphore, #tpu.memory_space<semaphore_mem>>) src(%dma_wait3A_29 : memref<624x128xf32, #tpu.memory_space<vmem_shared>>) dst(%dma_wait3A_27 : memref<624x128xf32, #tpu.memory_space<hbm>>)
      tpu.yield
    }) : () -> ()
    %eq3A_19 = arith.constant 15 : i32
    %eq3A_20 = arith.cmpi eq, %arg1, %eq3A_19 : i32
    %convert_element_type3A_21 = arith.extui %eq3A_20 : i1 to i32
    %cond3A_22 = arith.constant 0 : i32
    %cond3A_23 = arith.cmpi ne, %convert_element_type3A_21, %cond3A_22 : i32
    scf.if %cond3A_23 {
      %mul3A_24 = arith.constant 10000 : i32
      %mul3A_25 = arith.muli %arg0, %mul3A_24 : i32
      %add3A_26 = arith.constant 9984 : i32
      %add3A_27 = arith.addi %mul3A_25, %add3A_26 : i32
      "tpu.region"() ({
        %run_scoped3A = tpu.sem_alloc : memref<!tpu.dma_semaphore, #tpu.memory_space<semaphore_mem>>
        %dma_start3A = arith.constant 0 : i32
        %dma_start3A_28 = tpu.memref_slice %arg5[%add3A_27, %dma_start3A] : memref<20000x128xf32, #tpu.memory_space<hbm>> -> memref<16x128xf32, #tpu.memory_space<hbm>>
        %dma_start3A_29 = arith.constant 9984 : i32
        %dma_start3A_30 = arith.constant 0 : i32
        %dma_start3A_31 = tpu.memref_slice %arg6[%dma_start3A_29, %dma_start3A_30] : memref<10000x128xf32, #tpu.memory_space<vmem_shared>> -> memref<16x128xf32, #tpu.memory_space<vmem_shared>>
        tpu.enqueue_dma source(%dma_start3A_31 : memref<16x128xf32, #tpu.memory_space<vmem_shared>>) target(%dma_start3A_28 : memref<16x128xf32, #tpu.memory_space<hbm>>) target_semaphore(%run_scoped3A : memref<!tpu.dma_semaphore, #tpu.memory_space<semaphore_mem>>)
        %dma_wait3A = arith.constant 0 : i32
        %dma_wait3A_32 = tpu.memref_slice %arg5[%add3A_27, %dma_wait3A] : memref<20000x128xf32, #tpu.memory_space<hbm>> -> memref<16x128xf32, #tpu.memory_space<hbm>>
        %dma_wait3A_33 = arith.constant 9984 : i32
        %dma_wait3A_34 = arith.constant 0 : i32
        %dma_wait3A_35 = tpu.memref_slice %arg6[%dma_wait3A_33, %dma_wait3A_34] : memref<10000x128xf32, #tpu.memory_space<vmem_shared>> -> memref<16x128xf32, #tpu.memory_space<vmem_shared>>
        tpu.wait_dma2 semaphore(%run_scoped3A : memref<!tpu.dma_semaphore, #tpu.memory_space<semaphore_mem>>) src(%dma_wait3A_35 : memref<16x128xf32, #tpu.memory_space<vmem_shared>>) dst(%dma_wait3A_32 : memref<16x128xf32, #tpu.memory_space<hbm>>)
        tpu.yield
      }) : () -> ()
    } else {
    }
    return
  }
}

#map = affine_map<(d0, d1) -> (0, 0)>
#map1 = affine_map<(d0, d1) -> (0)>
module attributes {stable_mosaic.version = 14 : i64} {
  func.func @_sc_segsum_body(%arg0: i32, %arg1: i32, %arg2: memref<20000x128xf32, #tpu.memory_space<hbm>>, %arg3: memref<320000xi32, #tpu.memory_space<hbm>>, %arg4: memref<160000xi32, #tpu.memory_space<hbm>>, %arg5: memref<20000x128xf32, #tpu.memory_space<hbm>>, %arg6: memref<10000x128xf32, #tpu.memory_space<vmem_shared>>, %arg7: memref<256xi32, #tpu.memory_space<vmem>>, %arg8: memref<256xi32, #tpu.memory_space<vmem>>, %arg9: memref<256x128xf32, #tpu.memory_space<vmem>>) attributes {dimension_semantics = [#tpu.dimension_semantics<core_parallel>, #tpu.dimension_semantics<subcore_parallel>], iteration_bounds = array<i64: 2, 16>, scalar_prefetch = 0 : i64, scratch_operands = 4 : i64, tpu.core_type = #tpu.core_type<sc_vector_subcore>, window_params = [{transform_indices = #map}, {transform_indices = #map1}, {transform_indices = #map1}, {transform_indices = #map}]} {
    %mul3A = arith.constant 10000 : i32
    %mul3A_0 = arith.muli %arg0, %mul3A : i32
    %mul3A_1 = arith.constant 624 : i32
    %mul3A_2 = arith.muli %arg1, %mul3A_1 : i32
    %add3A = arith.addi %mul3A_0, %mul3A_2 : i32
    %mul3A_3 = arith.constant 624 : i32
    %mul3A_4 = arith.muli %arg1, %mul3A_3 : i32
    "tpu.region"() ({
      %run_scoped3A = tpu.sem_alloc : memref<!tpu.dma_semaphore, #tpu.memory_space<semaphore_mem>>
      %dma_start3A = arith.constant 0 : i32
      %dma_start3A_24 = tpu.memref_slice %arg6[%mul3A_4, %dma_start3A] : memref<10000x128xf32, #tpu.memory_space<vmem_shared>> -> memref<624x128xf32, #tpu.memory_space<vmem_shared>>
      %dma_start3A_25 = arith.constant 0 : i32
      %dma_start3A_26 = tpu.memref_slice %arg2[%add3A, %dma_start3A_25] : memref<20000x128xf32, #tpu.memory_space<hbm>> -> memref<624x128xf32, #tpu.memory_space<hbm>>
      tpu.enqueue_dma source(%dma_start3A_26 : memref<624x128xf32, #tpu.memory_space<hbm>>) target(%dma_start3A_24 : memref<624x128xf32, #tpu.memory_space<vmem_shared>>) target_semaphore(%run_scoped3A : memref<!tpu.dma_semaphore, #tpu.memory_space<semaphore_mem>>)
      %dma_wait3A = arith.constant 0 : i32
      %dma_wait3A_27 = tpu.memref_slice %arg6[%mul3A_4, %dma_wait3A] : memref<10000x128xf32, #tpu.memory_space<vmem_shared>> -> memref<624x128xf32, #tpu.memory_space<vmem_shared>>
      %dma_wait3A_28 = arith.constant 0 : i32
      %dma_wait3A_29 = tpu.memref_slice %arg2[%add3A, %dma_wait3A_28] : memref<20000x128xf32, #tpu.memory_space<hbm>> -> memref<624x128xf32, #tpu.memory_space<hbm>>
      tpu.wait_dma2 semaphore(%run_scoped3A : memref<!tpu.dma_semaphore, #tpu.memory_space<semaphore_mem>>) src(%dma_wait3A_29 : memref<624x128xf32, #tpu.memory_space<hbm>>) dst(%dma_wait3A_27 : memref<624x128xf32, #tpu.memory_space<vmem_shared>>)
      tpu.yield
    }) : () -> ()
    %eq3A = arith.constant 15 : i32
    %eq3A_5 = arith.cmpi eq, %arg1, %eq3A : i32
    %convert_element_type3A = arith.extui %eq3A_5 : i1 to i32
    %cond3A = arith.constant 0 : i32
    %cond3A_6 = arith.cmpi ne, %convert_element_type3A, %cond3A : i32
    scf.if %cond3A_6 {
      %mul3A_24 = arith.constant 10000 : i32
      %mul3A_25 = arith.muli %arg0, %mul3A_24 : i32
      %add3A_26 = arith.constant 9984 : i32
      %add3A_27 = arith.addi %mul3A_25, %add3A_26 : i32
      "tpu.region"() ({
        %run_scoped3A = tpu.sem_alloc : memref<!tpu.dma_semaphore, #tpu.memory_space<semaphore_mem>>
        %dma_start3A = arith.constant 9984 : i32
        %dma_start3A_28 = arith.constant 0 : i32
        %dma_start3A_29 = tpu.memref_slice %arg6[%dma_start3A, %dma_start3A_28] : memref<10000x128xf32, #tpu.memory_space<vmem_shared>> -> memref<16x128xf32, #tpu.memory_space<vmem_shared>>
        %dma_start3A_30 = arith.constant 0 : i32
        %dma_start3A_31 = tpu.memref_slice %arg2[%add3A_27, %dma_start3A_30] : memref<20000x128xf32, #tpu.memory_space<hbm>> -> memref<16x128xf32, #tpu.memory_space<hbm>>
        tpu.enqueue_dma source(%dma_start3A_31 : memref<16x128xf32, #tpu.memory_space<hbm>>) target(%dma_start3A_29 : memref<16x128xf32, #tpu.memory_space<vmem_shared>>) target_semaphore(%run_scoped3A : memref<!tpu.dma_semaphore, #tpu.memory_space<semaphore_mem>>)
        %dma_wait3A = arith.constant 9984 : i32
        %dma_wait3A_32 = arith.constant 0 : i32
        %dma_wait3A_33 = tpu.memref_slice %arg6[%dma_wait3A, %dma_wait3A_32] : memref<10000x128xf32, #tpu.memory_space<vmem_shared>> -> memref<16x128xf32, #tpu.memory_space<vmem_shared>>
        %dma_wait3A_34 = arith.constant 0 : i32
        %dma_wait3A_35 = tpu.memref_slice %arg2[%add3A_27, %dma_wait3A_34] : memref<20000x128xf32, #tpu.memory_space<hbm>> -> memref<16x128xf32, #tpu.memory_space<hbm>>
        tpu.wait_dma2 semaphore(%run_scoped3A : memref<!tpu.dma_semaphore, #tpu.memory_space<semaphore_mem>>) src(%dma_wait3A_35 : memref<16x128xf32, #tpu.memory_space<hbm>>) dst(%dma_wait3A_33 : memref<16x128xf32, #tpu.memory_space<vmem_shared>>)
        tpu.yield
      }) : () -> ()
    } else {
    }
    %barrier3A = arith.constant 0 : index
    tpu.barrier barrier_id(%barrier3A)
    %scan3A = arith.constant 0 : i32
    %scan3A_7 = arith.constant 40 : i32
    %scan3A_8 = arith.addi %scan3A, %scan3A_7 : i32
    %scan3A_9 = arith.constant 1 : i32
    scf.for %scan3A_24 = %scan3A to %scan3A_8 step %scan3A_9  : i32 {
      %mul3A_25 = arith.constant 1 : i32
      %mul3A_26 = arith.muli %scan3A_24, %mul3A_25 : i32
      %add3A_27 = arith.constant 0 : i32
      %add3A_28 = arith.addi %add3A_27, %mul3A_26 : i32
      %mul3A_29 = arith.constant 16 : i32
      %mul3A_30 = arith.muli %mul3A_29, %add3A_28 : i32
      %add3A_31 = arith.addi %arg1, %mul3A_30 : i32
      %lt3A = arith.constant 625 : i32
      %lt3A_32 = arith.cmpi slt, %add3A_31, %lt3A : i32
      %convert_element_type3A_33 = arith.extui %lt3A_32 : i1 to i32
      %cond3A_34 = arith.constant 0 : i32
      %cond3A_35 = arith.cmpi ne, %convert_element_type3A_33, %cond3A_34 : i32
      scf.if %cond3A_35 {
        %mul3A_36 = arith.constant 160000 : i32
        %mul3A_37 = arith.muli %arg0, %mul3A_36 : i32
        %mul3A_38 = arith.constant 256 : i32
        %mul3A_39 = arith.muli %add3A_31, %mul3A_38 : i32
        %add3A_40 = arith.addi %mul3A_37, %mul3A_39 : i32
        "tpu.region"() ({
          %run_scoped3A = tpu.sem_alloc : memref<!tpu.dma_semaphore, #tpu.memory_space<semaphore_mem>>
          %dma_start3A = tpu.memref_slice %arg3[%add3A_40] : memref<320000xi32, #tpu.memory_space<hbm>> -> memref<256xi32, #tpu.memory_space<hbm>>
          %dma_start3A_43 = tpu.memref_slice %arg3[%add3A_40] : memref<320000xi32, #tpu.memory_space<hbm>> -> memref<256xi32, #tpu.memory_space<hbm>>
          tpu.enqueue_dma source(%dma_start3A_43 : memref<256xi32, #tpu.memory_space<hbm>>) target(%arg7 : memref<256xi32, #tpu.memory_space<vmem>>) target_semaphore(%run_scoped3A : memref<!tpu.dma_semaphore, #tpu.memory_space<semaphore_mem>>)
          %dma_wait3A = tpu.memref_slice %arg3[%add3A_40] : memref<320000xi32, #tpu.memory_space<hbm>> -> memref<256xi32, #tpu.memory_space<hbm>>
          %dma_wait3A_44 = tpu.memref_slice %arg3[%add3A_40] : memref<320000xi32, #tpu.memory_space<hbm>> -> memref<256xi32, #tpu.memory_space<hbm>>
          tpu.wait_dma2 semaphore(%run_scoped3A : memref<!tpu.dma_semaphore, #tpu.memory_space<semaphore_mem>>) src(%dma_wait3A_44 : memref<256xi32, #tpu.memory_space<hbm>>) dst(%arg7 : memref<256xi32, #tpu.memory_space<vmem>>)
          tpu.yield
        }) : () -> ()
        %mul3A_41 = arith.constant 256 : i32
        %mul3A_42 = arith.muli %add3A_31, %mul3A_41 : i32
        "tpu.region"() ({
          %run_scoped3A = tpu.sem_alloc : memref<!tpu.dma_semaphore, #tpu.memory_space<semaphore_mem>>
          %dma_start3A = tpu.memref_slice %arg4[%mul3A_42] : memref<160000xi32, #tpu.memory_space<hbm>> -> memref<256xi32, #tpu.memory_space<hbm>>
          %dma_start3A_43 = tpu.memref_slice %arg4[%mul3A_42] : memref<160000xi32, #tpu.memory_space<hbm>> -> memref<256xi32, #tpu.memory_space<hbm>>
          tpu.enqueue_dma source(%dma_start3A_43 : memref<256xi32, #tpu.memory_space<hbm>>) target(%arg8 : memref<256xi32, #tpu.memory_space<vmem>>) target_semaphore(%run_scoped3A : memref<!tpu.dma_semaphore, #tpu.memory_space<semaphore_mem>>)
          %dma_wait3A = tpu.memref_slice %arg4[%mul3A_42] : memref<160000xi32, #tpu.memory_space<hbm>> -> memref<256xi32, #tpu.memory_space<hbm>>
          %dma_wait3A_44 = tpu.memref_slice %arg4[%mul3A_42] : memref<160000xi32, #tpu.memory_space<hbm>> -> memref<256xi32, #tpu.memory_space<hbm>>
          tpu.wait_dma2 semaphore(%run_scoped3A : memref<!tpu.dma_semaphore, #tpu.memory_space<semaphore_mem>>) src(%dma_wait3A_44 : memref<256xi32, #tpu.memory_space<hbm>>) dst(%arg8 : memref<256xi32, #tpu.memory_space<vmem>>)
          tpu.yield
        }) : () -> ()
        "tpu.region"() ({
          %run_scoped3A = tpu.sem_alloc : memref<!tpu.dma_semaphore, #tpu.memory_space<semaphore_mem>>
          %dma_start3A = arith.constant 0 : i32
          %dma_start3A_43 = arith.constant 0 : i32
          %dma_start3A_44 = tpu.memref_slice %arg2[%dma_start3A, %dma_start3A_43] : memref<20000x128xf32, #tpu.memory_space<hbm>> -> memref<20000x128xf32, #tpu.memory_space<hbm>>
          tpu.enqueue_indirect_dma source(%dma_start3A_44 : memref<20000x128xf32, #tpu.memory_space<hbm>>) target(%arg9 : memref<256x128xf32, #tpu.memory_space<vmem>>) offsets(%arg7 : memref<256xi32, #tpu.memory_space<vmem>>) semaphore(%run_scoped3A : memref<!tpu.dma_semaphore, #tpu.memory_space<semaphore_mem>>)
          %dma_wait3A = arith.constant 0 : i32
          %dma_wait3A_45 = arith.constant 0 : i32
          %dma_wait3A_46 = tpu.memref_slice %arg2[%dma_wait3A, %dma_wait3A_45] : memref<20000x128xf32, #tpu.memory_space<hbm>> -> memref<20000x128xf32, #tpu.memory_space<hbm>>
          tpu.wait_indirect_dma semaphore(%run_scoped3A : memref<!tpu.dma_semaphore, #tpu.memory_space<semaphore_mem>>) src(%dma_wait3A_46 : memref<20000x128xf32, #tpu.memory_space<hbm>>) dst(%arg9 : memref<256x128xf32, #tpu.memory_space<vmem>>)
          tpu.yield
        }) : () -> ()
        "tpu.region"() ({
          %run_scoped3A = tpu.sem_alloc : memref<!tpu.dma_semaphore, #tpu.memory_space<semaphore_mem>>
          %dma_start3A = arith.constant 0 : i32
          %dma_start3A_43 = arith.constant 0 : i32
          %dma_start3A_44 = tpu.memref_slice %arg6[%dma_start3A, %dma_start3A_43] : memref<10000x128xf32, #tpu.memory_space<vmem_shared>> -> memref<10000x128xf32, #tpu.memory_space<vmem_shared>>
          tpu.enqueue_indirect_dma source(%arg9 : memref<256x128xf32, #tpu.memory_space<vmem>>) target(%dma_start3A_44 : memref<10000x128xf32, #tpu.memory_space<vmem_shared>>) offsets(%arg8 : memref<256xi32, #tpu.memory_space<vmem>>) semaphore(%run_scoped3A : memref<!tpu.dma_semaphore, #tpu.memory_space<semaphore_mem>>) {add = true}
          %dma_wait3A = arith.constant 0 : i32
          %dma_wait3A_45 = arith.constant 0 : i32
          %dma_wait3A_46 = tpu.memref_slice %arg6[%dma_wait3A, %dma_wait3A_45] : memref<10000x128xf32, #tpu.memory_space<vmem_shared>> -> memref<10000x128xf32, #tpu.memory_space<vmem_shared>>
          tpu.wait_indirect_dma semaphore(%run_scoped3A : memref<!tpu.dma_semaphore, #tpu.memory_space<semaphore_mem>>) src(%arg9 : memref<256x128xf32, #tpu.memory_space<vmem>>) dst(%dma_wait3A_46 : memref<10000x128xf32, #tpu.memory_space<vmem_shared>>)
          tpu.yield
        }) : () -> ()
      } else {
      }
    }
    %scan3A_10 = arith.constant 40 : i32
    %barrier3A_11 = arith.constant 0 : index
    tpu.barrier barrier_id(%barrier3A_11)
    %mul3A_12 = arith.constant 624 : i32
    %mul3A_13 = arith.muli %arg1, %mul3A_12 : i32
    %mul3A_14 = arith.constant 10000 : i32
    %mul3A_15 = arith.muli %arg0, %mul3A_14 : i32
    %mul3A_16 = arith.constant 624 : i32
    %mul3A_17 = arith.muli %arg1, %mul3A_16 : i32
    %add3A_18 = arith.addi %mul3A_15, %mul3A_17 : i32
    "tpu.region"() ({
      %run_scoped3A = tpu.sem_alloc : memref<!tpu.dma_semaphore, #tpu.memory_space<semaphore_mem>>
      %dma_start3A = arith.constant 0 : i32
      %dma_start3A_24 = tpu.memref_slice %arg5[%add3A_18, %dma_start3A] : memref<20000x128xf32, #tpu.memory_space<hbm>> -> memref<624x128xf32, #tpu.memory_space<hbm>>
      %dma_start3A_25 = arith.constant 0 : i32
      %dma_start3A_26 = tpu.memref_slice %arg6[%mul3A_13, %dma_start3A_25] : memref<10000x128xf32, #tpu.memory_space<vmem_shared>> -> memref<624x128xf32, #tpu.memory_space<vmem_shared>>
      tpu.enqueue_dma source(%dma_start3A_26 : memref<624x128xf32, #tpu.memory_space<vmem_shared>>) target(%dma_start3A_24 : memref<624x128xf32, #tpu.memory_space<hbm>>) target_semaphore(%run_scoped3A : memref<!tpu.dma_semaphore, #tpu.memory_space<semaphore_mem>>)
      %dma_wait3A = arith.constant 0 : i32
      %dma_wait3A_27 = tpu.memref_slice %arg5[%add3A_18, %dma_wait3A] : memref<20000x128xf32, #tpu.memory_space<hbm>> -> memref<624x128xf32, #tpu.memory_space<hbm>>
      %dma_wait3A_28 = arith.constant 0 : i32
      %dma_wait3A_29 = tpu.memref_slice %arg6[%mul3A_13, %dma_wait3A_28] : memref<10000x128xf32, #tpu.memory_space<vmem_shared>> -> memref<624x128xf32, #tpu.memory_space<vmem_shared>>
      tpu.wait_dma2 semaphore(%run_scoped3A : memref<!tpu.dma_semaphore, #tpu.memory_space<semaphore_mem>>) src(%dma_wait3A_29 : memref<624x128xf32, #tpu.memory_space<vmem_shared>>) dst(%dma_wait3A_27 : memref<624x128xf32, #tpu.memory_space<hbm>>)
      tpu.yield
    }) : () -> ()
    %eq3A_19 = arith.constant 15 : i32
    %eq3A_20 = arith.cmpi eq, %arg1, %eq3A_19 : i32
    %convert_element_type3A_21 = arith.extui %eq3A_20 : i1 to i32
    %cond3A_22 = arith.constant 0 : i32
    %cond3A_23 = arith.cmpi ne, %convert_element_type3A_21, %cond3A_22 : i32
    scf.if %cond3A_23 {
      %mul3A_24 = arith.constant 10000 : i32
      %mul3A_25 = arith.muli %arg0, %mul3A_24 : i32
      %add3A_26 = arith.constant 9984 : i32
      %add3A_27 = arith.addi %mul3A_25, %add3A_26 : i32
      "tpu.region"() ({
        %run_scoped3A = tpu.sem_alloc : memref<!tpu.dma_semaphore, #tpu.memory_space<semaphore_mem>>
        %dma_start3A = arith.constant 0 : i32
        %dma_start3A_28 = tpu.memref_slice %arg5[%add3A_27, %dma_start3A] : memref<20000x128xf32, #tpu.memory_space<hbm>> -> memref<16x128xf32, #tpu.memory_space<hbm>>
        %dma_start3A_29 = arith.constant 9984 : i32
        %dma_start3A_30 = arith.constant 0 : i32
        %dma_start3A_31 = tpu.memref_slice %arg6[%dma_start3A_29, %dma_start3A_30] : memref<10000x128xf32, #tpu.memory_space<vmem_shared>> -> memref<16x128xf32, #tpu.memory_space<vmem_shared>>
        tpu.enqueue_dma source(%dma_start3A_31 : memref<16x128xf32, #tpu.memory_space<vmem_shared>>) target(%dma_start3A_28 : memref<16x128xf32, #tpu.memory_space<hbm>>) target_semaphore(%run_scoped3A : memref<!tpu.dma_semaphore, #tpu.memory_space<semaphore_mem>>)
        %dma_wait3A = arith.constant 0 : i32
        %dma_wait3A_32 = tpu.memref_slice %arg5[%add3A_27, %dma_wait3A] : memref<20000x128xf32, #tpu.memory_space<hbm>> -> memref<16x128xf32, #tpu.memory_space<hbm>>
        %dma_wait3A_33 = arith.constant 9984 : i32
        %dma_wait3A_34 = arith.constant 0 : i32
        %dma_wait3A_35 = tpu.memref_slice %arg6[%dma_wait3A_33, %dma_wait3A_34] : memref<10000x128xf32, #tpu.memory_space<vmem_shared>> -> memref<16x128xf32, #tpu.memory_space<vmem_shared>>
        tpu.wait_dma2 semaphore(%run_scoped3A : memref<!tpu.dma_semaphore, #tpu.memory_space<semaphore_mem>>) src(%dma_wait3A_35 : memref<16x128xf32, #tpu.memory_space<vmem_shared>>) dst(%dma_wait3A_32 : memref<16x128xf32, #tpu.memory_space<hbm>>)
        tpu.yield
      }) : () -> ()
    } else {
    }
    return
  }
}

#map = affine_map<(d0, d1) -> (0, 0)>
#map1 = affine_map<(d0, d1) -> (0)>
module attributes {stable_mosaic.version = 14 : i64} {
  func.func @_sc_segsum_body(%arg0: i32, %arg1: i32, %arg2: memref<20000x128xf32, #tpu.memory_space<hbm>>, %arg3: memref<320000xi32, #tpu.memory_space<hbm>>, %arg4: memref<160000xi32, #tpu.memory_space<hbm>>, %arg5: memref<20000x128xf32, #tpu.memory_space<hbm>>, %arg6: memref<10000x128xf32, #tpu.memory_space<vmem_shared>>, %arg7: memref<256xi32, #tpu.memory_space<vmem>>, %arg8: memref<256xi32, #tpu.memory_space<vmem>>, %arg9: memref<256x128xf32, #tpu.memory_space<vmem>>) attributes {dimension_semantics = [#tpu.dimension_semantics<core_parallel>, #tpu.dimension_semantics<subcore_parallel>], iteration_bounds = array<i64: 2, 16>, scalar_prefetch = 0 : i64, scratch_operands = 4 : i64, tpu.core_type = #tpu.core_type<sc_vector_subcore>, window_params = [{transform_indices = #map}, {transform_indices = #map1}, {transform_indices = #map1}, {transform_indices = #map}]} {
    %mul3A = arith.constant 10000 : i32
    %mul3A_0 = arith.muli %arg0, %mul3A : i32
    %mul3A_1 = arith.constant 624 : i32
    %mul3A_2 = arith.muli %arg1, %mul3A_1 : i32
    %add3A = arith.addi %mul3A_0, %mul3A_2 : i32
    %mul3A_3 = arith.constant 624 : i32
    %mul3A_4 = arith.muli %arg1, %mul3A_3 : i32
    "tpu.region"() ({
      %run_scoped3A = tpu.sem_alloc : memref<!tpu.dma_semaphore, #tpu.memory_space<semaphore_mem>>
      %dma_start3A = arith.constant 0 : i32
      %dma_start3A_24 = tpu.memref_slice %arg6[%mul3A_4, %dma_start3A] : memref<10000x128xf32, #tpu.memory_space<vmem_shared>> -> memref<624x128xf32, #tpu.memory_space<vmem_shared>>
      %dma_start3A_25 = arith.constant 0 : i32
      %dma_start3A_26 = tpu.memref_slice %arg2[%add3A, %dma_start3A_25] : memref<20000x128xf32, #tpu.memory_space<hbm>> -> memref<624x128xf32, #tpu.memory_space<hbm>>
      tpu.enqueue_dma source(%dma_start3A_26 : memref<624x128xf32, #tpu.memory_space<hbm>>) target(%dma_start3A_24 : memref<624x128xf32, #tpu.memory_space<vmem_shared>>) target_semaphore(%run_scoped3A : memref<!tpu.dma_semaphore, #tpu.memory_space<semaphore_mem>>)
      %dma_wait3A = arith.constant 0 : i32
      %dma_wait3A_27 = tpu.memref_slice %arg6[%mul3A_4, %dma_wait3A] : memref<10000x128xf32, #tpu.memory_space<vmem_shared>> -> memref<624x128xf32, #tpu.memory_space<vmem_shared>>
      %dma_wait3A_28 = arith.constant 0 : i32
      %dma_wait3A_29 = tpu.memref_slice %arg2[%add3A, %dma_wait3A_28] : memref<20000x128xf32, #tpu.memory_space<hbm>> -> memref<624x128xf32, #tpu.memory_space<hbm>>
      tpu.wait_dma2 semaphore(%run_scoped3A : memref<!tpu.dma_semaphore, #tpu.memory_space<semaphore_mem>>) src(%dma_wait3A_29 : memref<624x128xf32, #tpu.memory_space<hbm>>) dst(%dma_wait3A_27 : memref<624x128xf32, #tpu.memory_space<vmem_shared>>)
      tpu.yield
    }) : () -> ()
    %eq3A = arith.constant 15 : i32
    %eq3A_5 = arith.cmpi eq, %arg1, %eq3A : i32
    %convert_element_type3A = arith.extui %eq3A_5 : i1 to i32
    %cond3A = arith.constant 0 : i32
    %cond3A_6 = arith.cmpi ne, %convert_element_type3A, %cond3A : i32
    scf.if %cond3A_6 {
      %mul3A_24 = arith.constant 10000 : i32
      %mul3A_25 = arith.muli %arg0, %mul3A_24 : i32
      %add3A_26 = arith.constant 9984 : i32
      %add3A_27 = arith.addi %mul3A_25, %add3A_26 : i32
      "tpu.region"() ({
        %run_scoped3A = tpu.sem_alloc : memref<!tpu.dma_semaphore, #tpu.memory_space<semaphore_mem>>
        %dma_start3A = arith.constant 9984 : i32
        %dma_start3A_28 = arith.constant 0 : i32
        %dma_start3A_29 = tpu.memref_slice %arg6[%dma_start3A, %dma_start3A_28] : memref<10000x128xf32, #tpu.memory_space<vmem_shared>> -> memref<16x128xf32, #tpu.memory_space<vmem_shared>>
        %dma_start3A_30 = arith.constant 0 : i32
        %dma_start3A_31 = tpu.memref_slice %arg2[%add3A_27, %dma_start3A_30] : memref<20000x128xf32, #tpu.memory_space<hbm>> -> memref<16x128xf32, #tpu.memory_space<hbm>>
        tpu.enqueue_dma source(%dma_start3A_31 : memref<16x128xf32, #tpu.memory_space<hbm>>) target(%dma_start3A_29 : memref<16x128xf32, #tpu.memory_space<vmem_shared>>) target_semaphore(%run_scoped3A : memref<!tpu.dma_semaphore, #tpu.memory_space<semaphore_mem>>)
        %dma_wait3A = arith.constant 9984 : i32
        %dma_wait3A_32 = arith.constant 0 : i32
        %dma_wait3A_33 = tpu.memref_slice %arg6[%dma_wait3A, %dma_wait3A_32] : memref<10000x128xf32, #tpu.memory_space<vmem_shared>> -> memref<16x128xf32, #tpu.memory_space<vmem_shared>>
        %dma_wait3A_34 = arith.constant 0 : i32
        %dma_wait3A_35 = tpu.memref_slice %arg2[%add3A_27, %dma_wait3A_34] : memref<20000x128xf32, #tpu.memory_space<hbm>> -> memref<16x128xf32, #tpu.memory_space<hbm>>
        tpu.wait_dma2 semaphore(%run_scoped3A : memref<!tpu.dma_semaphore, #tpu.memory_space<semaphore_mem>>) src(%dma_wait3A_35 : memref<16x128xf32, #tpu.memory_space<hbm>>) dst(%dma_wait3A_33 : memref<16x128xf32, #tpu.memory_space<vmem_shared>>)
        tpu.yield
      }) : () -> ()
    } else {
    }
    %barrier3A = arith.constant 0 : index
    tpu.barrier barrier_id(%barrier3A)
    %scan3A = arith.constant 0 : i32
    %scan3A_7 = arith.constant 40 : i32
    %scan3A_8 = arith.addi %scan3A, %scan3A_7 : i32
    %scan3A_9 = arith.constant 1 : i32
    scf.for %scan3A_24 = %scan3A to %scan3A_8 step %scan3A_9  : i32 {
      %mul3A_25 = arith.constant 1 : i32
      %mul3A_26 = arith.muli %scan3A_24, %mul3A_25 : i32
      %add3A_27 = arith.constant 0 : i32
      %add3A_28 = arith.addi %add3A_27, %mul3A_26 : i32
      %mul3A_29 = arith.constant 16 : i32
      %mul3A_30 = arith.muli %mul3A_29, %add3A_28 : i32
      %add3A_31 = arith.addi %arg1, %mul3A_30 : i32
      %lt3A = arith.constant 625 : i32
      %lt3A_32 = arith.cmpi slt, %add3A_31, %lt3A : i32
      %convert_element_type3A_33 = arith.extui %lt3A_32 : i1 to i32
      %cond3A_34 = arith.constant 0 : i32
      %cond3A_35 = arith.cmpi ne, %convert_element_type3A_33, %cond3A_34 : i32
      scf.if %cond3A_35 {
        %mul3A_36 = arith.constant 160000 : i32
        %mul3A_37 = arith.muli %arg0, %mul3A_36 : i32
        %mul3A_38 = arith.constant 256 : i32
        %mul3A_39 = arith.muli %add3A_31, %mul3A_38 : i32
        %add3A_40 = arith.addi %mul3A_37, %mul3A_39 : i32
        "tpu.region"() ({
          %run_scoped3A = tpu.sem_alloc : memref<!tpu.dma_semaphore, #tpu.memory_space<semaphore_mem>>
          %dma_start3A = tpu.memref_slice %arg3[%add3A_40] : memref<320000xi32, #tpu.memory_space<hbm>> -> memref<256xi32, #tpu.memory_space<hbm>>
          %dma_start3A_43 = tpu.memref_slice %arg3[%add3A_40] : memref<320000xi32, #tpu.memory_space<hbm>> -> memref<256xi32, #tpu.memory_space<hbm>>
          tpu.enqueue_dma source(%dma_start3A_43 : memref<256xi32, #tpu.memory_space<hbm>>) target(%arg7 : memref<256xi32, #tpu.memory_space<vmem>>) target_semaphore(%run_scoped3A : memref<!tpu.dma_semaphore, #tpu.memory_space<semaphore_mem>>)
          %dma_wait3A = tpu.memref_slice %arg3[%add3A_40] : memref<320000xi32, #tpu.memory_space<hbm>> -> memref<256xi32, #tpu.memory_space<hbm>>
          %dma_wait3A_44 = tpu.memref_slice %arg3[%add3A_40] : memref<320000xi32, #tpu.memory_space<hbm>> -> memref<256xi32, #tpu.memory_space<hbm>>
          tpu.wait_dma2 semaphore(%run_scoped3A : memref<!tpu.dma_semaphore, #tpu.memory_space<semaphore_mem>>) src(%dma_wait3A_44 : memref<256xi32, #tpu.memory_space<hbm>>) dst(%arg7 : memref<256xi32, #tpu.memory_space<vmem>>)
          tpu.yield
        }) : () -> ()
        %mul3A_41 = arith.constant 256 : i32
        %mul3A_42 = arith.muli %add3A_31, %mul3A_41 : i32
        "tpu.region"() ({
          %run_scoped3A = tpu.sem_alloc : memref<!tpu.dma_semaphore, #tpu.memory_space<semaphore_mem>>
          %dma_start3A = tpu.memref_slice %arg4[%mul3A_42] : memref<160000xi32, #tpu.memory_space<hbm>> -> memref<256xi32, #tpu.memory_space<hbm>>
          %dma_start3A_43 = tpu.memref_slice %arg4[%mul3A_42] : memref<160000xi32, #tpu.memory_space<hbm>> -> memref<256xi32, #tpu.memory_space<hbm>>
          tpu.enqueue_dma source(%dma_start3A_43 : memref<256xi32, #tpu.memory_space<hbm>>) target(%arg8 : memref<256xi32, #tpu.memory_space<vmem>>) target_semaphore(%run_scoped3A : memref<!tpu.dma_semaphore, #tpu.memory_space<semaphore_mem>>)
          %dma_wait3A = tpu.memref_slice %arg4[%mul3A_42] : memref<160000xi32, #tpu.memory_space<hbm>> -> memref<256xi32, #tpu.memory_space<hbm>>
          %dma_wait3A_44 = tpu.memref_slice %arg4[%mul3A_42] : memref<160000xi32, #tpu.memory_space<hbm>> -> memref<256xi32, #tpu.memory_space<hbm>>
          tpu.wait_dma2 semaphore(%run_scoped3A : memref<!tpu.dma_semaphore, #tpu.memory_space<semaphore_mem>>) src(%dma_wait3A_44 : memref<256xi32, #tpu.memory_space<hbm>>) dst(%arg8 : memref<256xi32, #tpu.memory_space<vmem>>)
          tpu.yield
        }) : () -> ()
        "tpu.region"() ({
          %run_scoped3A = tpu.sem_alloc : memref<!tpu.dma_semaphore, #tpu.memory_space<semaphore_mem>>
          %dma_start3A = arith.constant 0 : i32
          %dma_start3A_43 = arith.constant 0 : i32
          %dma_start3A_44 = tpu.memref_slice %arg2[%dma_start3A, %dma_start3A_43] : memref<20000x128xf32, #tpu.memory_space<hbm>> -> memref<20000x128xf32, #tpu.memory_space<hbm>>
          tpu.enqueue_indirect_dma source(%dma_start3A_44 : memref<20000x128xf32, #tpu.memory_space<hbm>>) target(%arg9 : memref<256x128xf32, #tpu.memory_space<vmem>>) offsets(%arg7 : memref<256xi32, #tpu.memory_space<vmem>>) semaphore(%run_scoped3A : memref<!tpu.dma_semaphore, #tpu.memory_space<semaphore_mem>>)
          %dma_wait3A = arith.constant 0 : i32
          %dma_wait3A_45 = arith.constant 0 : i32
          %dma_wait3A_46 = tpu.memref_slice %arg2[%dma_wait3A, %dma_wait3A_45] : memref<20000x128xf32, #tpu.memory_space<hbm>> -> memref<20000x128xf32, #tpu.memory_space<hbm>>
          tpu.wait_indirect_dma semaphore(%run_scoped3A : memref<!tpu.dma_semaphore, #tpu.memory_space<semaphore_mem>>) src(%dma_wait3A_46 : memref<20000x128xf32, #tpu.memory_space<hbm>>) dst(%arg9 : memref<256x128xf32, #tpu.memory_space<vmem>>)
          tpu.yield
        }) : () -> ()
        "tpu.region"() ({
          %run_scoped3A = tpu.sem_alloc : memref<!tpu.dma_semaphore, #tpu.memory_space<semaphore_mem>>
          %dma_start3A = arith.constant 0 : i32
          %dma_start3A_43 = arith.constant 0 : i32
          %dma_start3A_44 = tpu.memref_slice %arg6[%dma_start3A, %dma_start3A_43] : memref<10000x128xf32, #tpu.memory_space<vmem_shared>> -> memref<10000x128xf32, #tpu.memory_space<vmem_shared>>
          tpu.enqueue_indirect_dma source(%arg9 : memref<256x128xf32, #tpu.memory_space<vmem>>) target(%dma_start3A_44 : memref<10000x128xf32, #tpu.memory_space<vmem_shared>>) offsets(%arg8 : memref<256xi32, #tpu.memory_space<vmem>>) semaphore(%run_scoped3A : memref<!tpu.dma_semaphore, #tpu.memory_space<semaphore_mem>>) {add = true}
          %dma_wait3A = arith.constant 0 : i32
          %dma_wait3A_45 = arith.constant 0 : i32
          %dma_wait3A_46 = tpu.memref_slice %arg6[%dma_wait3A, %dma_wait3A_45] : memref<10000x128xf32, #tpu.memory_space<vmem_shared>> -> memref<10000x128xf32, #tpu.memory_space<vmem_shared>>
          tpu.wait_indirect_dma semaphore(%run_scoped3A : memref<!tpu.dma_semaphore, #tpu.memory_space<semaphore_mem>>) src(%arg9 : memref<256x128xf32, #tpu.memory_space<vmem>>) dst(%dma_wait3A_46 : memref<10000x128xf32, #tpu.memory_space<vmem_shared>>)
          tpu.yield
        }) : () -> ()
      } else {
      }
    }
    %scan3A_10 = arith.constant 40 : i32
    %barrier3A_11 = arith.constant 0 : index
    tpu.barrier barrier_id(%barrier3A_11)
    %mul3A_12 = arith.constant 624 : i32
    %mul3A_13 = arith.muli %arg1, %mul3A_12 : i32
    %mul3A_14 = arith.constant 10000 : i32
    %mul3A_15 = arith.muli %arg0, %mul3A_14 : i32
    %mul3A_16 = arith.constant 624 : i32
    %mul3A_17 = arith.muli %arg1, %mul3A_16 : i32
    %add3A_18 = arith.addi %mul3A_15, %mul3A_17 : i32
    "tpu.region"() ({
      %run_scoped3A = tpu.sem_alloc : memref<!tpu.dma_semaphore, #tpu.memory_space<semaphore_mem>>
      %dma_start3A = arith.constant 0 : i32
      %dma_start3A_24 = tpu.memref_slice %arg5[%add3A_18, %dma_start3A] : memref<20000x128xf32, #tpu.memory_space<hbm>> -> memref<624x128xf32, #tpu.memory_space<hbm>>
      %dma_start3A_25 = arith.constant 0 : i32
      %dma_start3A_26 = tpu.memref_slice %arg6[%mul3A_13, %dma_start3A_25] : memref<10000x128xf32, #tpu.memory_space<vmem_shared>> -> memref<624x128xf32, #tpu.memory_space<vmem_shared>>
      tpu.enqueue_dma source(%dma_start3A_26 : memref<624x128xf32, #tpu.memory_space<vmem_shared>>) target(%dma_start3A_24 : memref<624x128xf32, #tpu.memory_space<hbm>>) target_semaphore(%run_scoped3A : memref<!tpu.dma_semaphore, #tpu.memory_space<semaphore_mem>>)
      %dma_wait3A = arith.constant 0 : i32
      %dma_wait3A_27 = tpu.memref_slice %arg5[%add3A_18, %dma_wait3A] : memref<20000x128xf32, #tpu.memory_space<hbm>> -> memref<624x128xf32, #tpu.memory_space<hbm>>
      %dma_wait3A_28 = arith.constant 0 : i32
      %dma_wait3A_29 = tpu.memref_slice %arg6[%mul3A_13, %dma_wait3A_28] : memref<10000x128xf32, #tpu.memory_space<vmem_shared>> -> memref<624x128xf32, #tpu.memory_space<vmem_shared>>
      tpu.wait_dma2 semaphore(%run_scoped3A : memref<!tpu.dma_semaphore, #tpu.memory_space<semaphore_mem>>) src(%dma_wait3A_29 : memref<624x128xf32, #tpu.memory_space<vmem_shared>>) dst(%dma_wait3A_27 : memref<624x128xf32, #tpu.memory_space<hbm>>)
      tpu.yield
    }) : () -> ()
    %eq3A_19 = arith.constant 15 : i32
    %eq3A_20 = arith.cmpi eq, %arg1, %eq3A_19 : i32
    %convert_element_type3A_21 = arith.extui %eq3A_20 : i1 to i32
    %cond3A_22 = arith.constant 0 : i32
    %cond3A_23 = arith.cmpi ne, %convert_element_type3A_21, %cond3A_22 : i32
    scf.if %cond3A_23 {
      %mul3A_24 = arith.constant 10000 : i32
      %mul3A_25 = arith.muli %arg0, %mul3A_24 : i32
      %add3A_26 = arith.constant 9984 : i32
      %add3A_27 = arith.addi %mul3A_25, %add3A_26 : i32
      "tpu.region"() ({
        %run_scoped3A = tpu.sem_alloc : memref<!tpu.dma_semaphore, #tpu.memory_space<semaphore_mem>>
        %dma_start3A = arith.constant 0 : i32
        %dma_start3A_28 = tpu.memref_slice %arg5[%add3A_27, %dma_start3A] : memref<20000x128xf32, #tpu.memory_space<hbm>> -> memref<16x128xf32, #tpu.memory_space<hbm>>
        %dma_start3A_29 = arith.constant 9984 : i32
        %dma_start3A_30 = arith.constant 0 : i32
        %dma_start3A_31 = tpu.memref_slice %arg6[%dma_start3A_29, %dma_start3A_30] : memref<10000x128xf32, #tpu.memory_space<vmem_shared>> -> memref<16x128xf32, #tpu.memory_space<vmem_shared>>
        tpu.enqueue_dma source(%dma_start3A_31 : memref<16x128xf32, #tpu.memory_space<vmem_shared>>) target(%dma_start3A_28 : memref<16x128xf32, #tpu.memory_space<hbm>>) target_semaphore(%run_scoped3A : memref<!tpu.dma_semaphore, #tpu.memory_space<semaphore_mem>>)
        %dma_wait3A = arith.constant 0 : i32
        %dma_wait3A_32 = tpu.memref_slice %arg5[%add3A_27, %dma_wait3A] : memref<20000x128xf32, #tpu.memory_space<hbm>> -> memref<16x128xf32, #tpu.memory_space<hbm>>
        %dma_wait3A_33 = arith.constant 9984 : i32
        %dma_wait3A_34 = arith.constant 0 : i32
        %dma_wait3A_35 = tpu.memref_slice %arg6[%dma_wait3A_33, %dma_wait3A_34] : memref<10000x128xf32, #tpu.memory_space<vmem_shared>> -> memref<16x128xf32, #tpu.memory_space<vmem_shared>>
        tpu.wait_dma2 semaphore(%run_scoped3A : memref<!tpu.dma_semaphore, #tpu.memory_space<semaphore_mem>>) src(%dma_wait3A_35 : memref<16x128xf32, #tpu.memory_space<vmem_shared>>) dst(%dma_wait3A_32 : memref<16x128xf32, #tpu.memory_space<hbm>>)
        tpu.yield
      }) : () -> ()
    } else {
    }
    return
  }
}

module attributes {stable_mosaic.version = 14 : i64} {
  func.func @_mlp_layer_body(%arg0: memref<20000x128xf32, #tpu.memory_space<vmem>>, %arg1: memref<256x256xf32, #tpu.memory_space<vmem>>, %arg2: memref<1x256xf32, #tpu.memory_space<vmem>>, %arg3: memref<1x256xf32, #tpu.memory_space<vmem>>, %arg4: memref<1x256xf32, #tpu.memory_space<vmem>>, %arg5: memref<256x256xf32, #tpu.memory_space<vmem>>, %arg6: memref<1x256xf32, #tpu.memory_space<vmem>>, %arg7: memref<1x256xf32, #tpu.memory_space<vmem>>, %arg8: memref<1x256xf32, #tpu.memory_space<vmem>>, %arg9: memref<20000x128xf32, #tpu.memory_space<vmem>>) attributes {dimension_semantics = [], scalar_prefetch = 0 : i64, scratch_operands = 0 : i64, tpu.core_type = #tpu.core_type<tc>} {
    %get3A = arith.constant 0 : index
    %get3A_0 = arith.constant 0 : index
    %get3A_1 = vector.load %arg0[%get3A, %get3A_0] : memref<20000x128xf32, #tpu.memory_space<vmem>>, vector<10000x128xf32>
    %get3A_2 = arith.constant 10000 : index
    %get3A_3 = arith.constant 0 : index
    %get3A_4 = vector.load %arg0[%get3A_2, %get3A_3] : memref<20000x128xf32, #tpu.memory_space<vmem>>, vector<10000x128xf32>
    %get3A_5 = arith.constant 0 : index
    %get3A_6 = arith.constant 0 : index
    %get3A_7 = vector.load %arg1[%get3A_5, %get3A_6] : memref<256x256xf32, #tpu.memory_space<vmem>>, vector<128x128xf32>
    %dot_general3A = arith.constant dense<0.000000e+00> : vector<10000x128xf32>
    %dot_general3A_8 = tpu.matmul %get3A_1, %get3A_7, %dot_general3A {dimension_numbers = #tpu.dot_dimension_numbers<[1], [0], [0], [1], [0, 0, 1, 1], [], []>, transpose_lhs_hint = false} : vector<10000x128xf32>, vector<128x128xf32>, vector<10000x128xf32> -> vector<10000x128xf32>
    %get3A_9 = arith.constant 128 : index
    %get3A_10 = arith.constant 0 : index
    %get3A_11 = vector.load %arg1[%get3A_9, %get3A_10] : memref<256x256xf32, #tpu.memory_space<vmem>>, vector<128x128xf32>
    %dot_general3A_12 = arith.constant dense<0.000000e+00> : vector<10000x128xf32>
    %dot_general3A_13 = tpu.matmul %get3A_4, %get3A_11, %dot_general3A_12 {dimension_numbers = #tpu.dot_dimension_numbers<[1], [0], [0], [1], [0, 0, 1, 1], [], []>, transpose_lhs_hint = false} : vector<10000x128xf32>, vector<128x128xf32>, vector<10000x128xf32> -> vector<10000x128xf32>
    %add3A = arith.addf %dot_general3A_8, %dot_general3A_13 : vector<10000x128xf32>
    %get3A_14 = arith.constant 0 : index
    %get3A_15 = arith.constant 0 : index
    %get3A_16 = vector.load %arg2[%get3A_14, %get3A_15] : memref<1x256xf32, #tpu.memory_space<vmem>>, vector<1x128xf32>
    %add3A_17 = vector.broadcast %get3A_16 : vector<1x128xf32> to vector<10000x128xf32>
    %add3A_18 = arith.addf %add3A, %add3A_17 : vector<10000x128xf32>
    %reduce_sum3A = arith.constant dense<0.000000e+00> : vector<128xf32>
    %reduce_sum3A_19 = vector.multi_reduction <add>, %add3A_18, %reduce_sum3A [0] : vector<10000x128xf32> to vector<128xf32>
    %broadcast_in_dim3A = vector.shape_cast %reduce_sum3A_19 : vector<128xf32> to vector<1x128xf32>
    %div3A = arith.constant 1.000000e+04 : f32
    %div3A_20 = vector.broadcast %div3A : f32 to vector<1x128xf32>
    %div3A_21 = arith.divf %broadcast_in_dim3A, %div3A_20 : vector<1x128xf32>
    %sub3A = vector.broadcast %div3A_21 : vector<1x128xf32> to vector<10000x128xf32>
    %sub3A_22 = arith.subf %add3A_18, %sub3A : vector<10000x128xf32>
    %integer_pow3A = arith.mulf %sub3A_22, %sub3A_22 : vector<10000x128xf32>
    %reduce_sum3A_23 = arith.constant dense<0.000000e+00> : vector<128xf32>
    %reduce_sum3A_24 = vector.multi_reduction <add>, %integer_pow3A, %reduce_sum3A_23 [0] : vector<10000x128xf32> to vector<128xf32>
    %broadcast_in_dim3A_25 = vector.shape_cast %reduce_sum3A_24 : vector<128xf32> to vector<1x128xf32>
    %div3A_26 = arith.constant 1.000000e+04 : f32
    %div3A_27 = vector.broadcast %div3A_26 : f32 to vector<1x128xf32>
    %div3A_28 = arith.divf %broadcast_in_dim3A_25, %div3A_27 : vector<1x128xf32>
    %sub3A_29 = vector.broadcast %div3A_21 : vector<1x128xf32> to vector<10000x128xf32>
    %sub3A_30 = arith.subf %add3A_18, %sub3A_29 : vector<10000x128xf32>
    %add3A_31 = arith.constant 9.99999974E-6 : f32
    %add3A_32 = vector.broadcast %add3A_31 : f32 to vector<1x128xf32>
    %add3A_33 = arith.addf %div3A_28, %add3A_32 : vector<1x128xf32>
    %sqrt3A = math.sqrt %add3A_33 : vector<1x128xf32>
    %div3A_34 = vector.broadcast %sqrt3A : vector<1x128xf32> to vector<10000x128xf32>
    %div3A_35 = arith.divf %sub3A_30, %div3A_34 : vector<10000x128xf32>
    %get3A_36 = arith.constant 0 : index
    %get3A_37 = arith.constant 0 : index
    %get3A_38 = vector.load %arg3[%get3A_36, %get3A_37] : memref<1x256xf32, #tpu.memory_space<vmem>>, vector<1x128xf32>
    %mul3A = vector.broadcast %get3A_38 : vector<1x128xf32> to vector<10000x128xf32>
    %mul3A_39 = arith.mulf %div3A_35, %mul3A : vector<10000x128xf32>
    %get3A_40 = arith.constant 0 : index
    %get3A_41 = arith.constant 0 : index
    %get3A_42 = vector.load %arg4[%get3A_40, %get3A_41] : memref<1x256xf32, #tpu.memory_space<vmem>>, vector<1x128xf32>
    %add3A_43 = vector.broadcast %get3A_42 : vector<1x128xf32> to vector<10000x128xf32>
    %add3A_44 = arith.addf %mul3A_39, %add3A_43 : vector<10000x128xf32>
    %max3A = arith.constant 0.000000e+00 : f32
    %max3A_45 = vector.broadcast %max3A : f32 to vector<10000x128xf32>
    %max3A_46 = arith.maximumf %add3A_44, %max3A_45 : vector<10000x128xf32>
    %get3A_47 = arith.constant 0 : index
    %get3A_48 = arith.constant 128 : index
    %get3A_49 = vector.load %arg1[%get3A_47, %get3A_48] : memref<256x256xf32, #tpu.memory_space<vmem>>, vector<128x128xf32>
    %dot_general3A_50 = arith.constant dense<0.000000e+00> : vector<10000x128xf32>
    %dot_general3A_51 = tpu.matmul %get3A_1, %get3A_49, %dot_general3A_50 {dimension_numbers = #tpu.dot_dimension_numbers<[1], [0], [0], [1], [0, 0, 1, 1], [], []>, transpose_lhs_hint = false} : vector<10000x128xf32>, vector<128x128xf32>, vector<10000x128xf32> -> vector<10000x128xf32>
    %get3A_52 = arith.constant 128 : index
    %get3A_53 = arith.constant 128 : index
    %get3A_54 = vector.load %arg1[%get3A_52, %get3A_53] : memref<256x256xf32, #tpu.memory_space<vmem>>, vector<128x128xf32>
    %dot_general3A_55 = arith.constant dense<0.000000e+00> : vector<10000x128xf32>
    %dot_general3A_56 = tpu.matmul %get3A_4, %get3A_54, %dot_general3A_55 {dimension_numbers = #tpu.dot_dimension_numbers<[1], [0], [0], [1], [0, 0, 1, 1], [], []>, transpose_lhs_hint = false} : vector<10000x128xf32>, vector<128x128xf32>, vector<10000x128xf32> -> vector<10000x128xf32>
    %add3A_57 = arith.addf %dot_general3A_51, %dot_general3A_56 : vector<10000x128xf32>
    %get3A_58 = arith.constant 0 : index
    %get3A_59 = arith.constant 128 : index
    %get3A_60 = vector.load %arg2[%get3A_58, %get3A_59] : memref<1x256xf32, #tpu.memory_space<vmem>>, vector<1x128xf32>
    %add3A_61 = vector.broadcast %get3A_60 : vector<1x128xf32> to vector<10000x128xf32>
    %add3A_62 = arith.addf %add3A_57, %add3A_61 : vector<10000x128xf32>
    %reduce_sum3A_63 = arith.constant dense<0.000000e+00> : vector<128xf32>
    %reduce_sum3A_64 = vector.multi_reduction <add>, %add3A_62, %reduce_sum3A_63 [0] : vector<10000x128xf32> to vector<128xf32>
    %broadcast_in_dim3A_65 = vector.shape_cast %reduce_sum3A_64 : vector<128xf32> to vector<1x128xf32>
    %div3A_66 = arith.constant 1.000000e+04 : f32
    %div3A_67 = vector.broadcast %div3A_66 : f32 to vector<1x128xf32>
    %div3A_68 = arith.divf %broadcast_in_dim3A_65, %div3A_67 : vector<1x128xf32>
    %sub3A_69 = vector.broadcast %div3A_68 : vector<1x128xf32> to vector<10000x128xf32>
    %sub3A_70 = arith.subf %add3A_62, %sub3A_69 : vector<10000x128xf32>
    %integer_pow3A_71 = arith.mulf %sub3A_70, %sub3A_70 : vector<10000x128xf32>
    %reduce_sum3A_72 = arith.constant dense<0.000000e+00> : vector<128xf32>
    %reduce_sum3A_73 = vector.multi_reduction <add>, %integer_pow3A_71, %reduce_sum3A_72 [0] : vector<10000x128xf32> to vector<128xf32>
    %broadcast_in_dim3A_74 = vector.shape_cast %reduce_sum3A_73 : vector<128xf32> to vector<1x128xf32>
    %div3A_75 = arith.constant 1.000000e+04 : f32
    %div3A_76 = vector.broadcast %div3A_75 : f32 to vector<1x128xf32>
    %div3A_77 = arith.divf %broadcast_in_dim3A_74, %div3A_76 : vector<1x128xf32>
    %sub3A_78 = vector.broadcast %div3A_68 : vector<1x128xf32> to vector<10000x128xf32>
    %sub3A_79 = arith.subf %add3A_62, %sub3A_78 : vector<10000x128xf32>
    %add3A_80 = arith.constant 9.99999974E-6 : f32
    %add3A_81 = vector.broadcast %add3A_80 : f32 to vector<1x128xf32>
    %add3A_82 = arith.addf %div3A_77, %add3A_81 : vector<1x128xf32>
    %sqrt3A_83 = math.sqrt %add3A_82 : vector<1x128xf32>
    %div3A_84 = vector.broadcast %sqrt3A_83 : vector<1x128xf32> to vector<10000x128xf32>
    %div3A_85 = arith.divf %sub3A_79, %div3A_84 : vector<10000x128xf32>
    %get3A_86 = arith.constant 0 : index
    %get3A_87 = arith.constant 128 : index
    %get3A_88 = vector.load %arg3[%get3A_86, %get3A_87] : memref<1x256xf32, #tpu.memory_space<vmem>>, vector<1x128xf32>
    %mul3A_89 = vector.broadcast %get3A_88 : vector<1x128xf32> to vector<10000x128xf32>
    %mul3A_90 = arith.mulf %div3A_85, %mul3A_89 : vector<10000x128xf32>
    %get3A_91 = arith.constant 0 : index
    %get3A_92 = arith.constant 128 : index
    %get3A_93 = vector.load %arg4[%get3A_91, %get3A_92] : memref<1x256xf32, #tpu.memory_space<vmem>>, vector<1x128xf32>
    %add3A_94 = vector.broadcast %get3A_93 : vector<1x128xf32> to vector<10000x128xf32>
    %add3A_95 = arith.addf %mul3A_90, %add3A_94 : vector<10000x128xf32>
    %max3A_96 = arith.constant 0.000000e+00 : f32
    %max3A_97 = vector.broadcast %max3A_96 : f32 to vector<10000x128xf32>
    %max3A_98 = arith.maximumf %add3A_95, %max3A_97 : vector<10000x128xf32>
    %get3A_99 = arith.constant 0 : index
    %get3A_100 = arith.constant 0 : index
    %get3A_101 = vector.load %arg5[%get3A_99, %get3A_100] : memref<256x256xf32, #tpu.memory_space<vmem>>, vector<128x128xf32>
    %dot_general3A_102 = arith.constant dense<0.000000e+00> : vector<10000x128xf32>
    %dot_general3A_103 = tpu.matmul %max3A_46, %get3A_101, %dot_general3A_102 {dimension_numbers = #tpu.dot_dimension_numbers<[1], [0], [0], [1], [0, 0, 1, 1], [], []>, transpose_lhs_hint = false} : vector<10000x128xf32>, vector<128x128xf32>, vector<10000x128xf32> -> vector<10000x128xf32>
    %get3A_104 = arith.constant 128 : index
    %get3A_105 = arith.constant 0 : index
    %get3A_106 = vector.load %arg5[%get3A_104, %get3A_105] : memref<256x256xf32, #tpu.memory_space<vmem>>, vector<128x128xf32>
    %dot_general3A_107 = arith.constant dense<0.000000e+00> : vector<10000x128xf32>
    %dot_general3A_108 = tpu.matmul %max3A_98, %get3A_106, %dot_general3A_107 {dimension_numbers = #tpu.dot_dimension_numbers<[1], [0], [0], [1], [0, 0, 1, 1], [], []>, transpose_lhs_hint = false} : vector<10000x128xf32>, vector<128x128xf32>, vector<10000x128xf32> -> vector<10000x128xf32>
    %add3A_109 = arith.addf %dot_general3A_103, %dot_general3A_108 : vector<10000x128xf32>
    %get3A_110 = arith.constant 0 : index
    %get3A_111 = arith.constant 0 : index
    %get3A_112 = vector.load %arg6[%get3A_110, %get3A_111] : memref<1x256xf32, #tpu.memory_space<vmem>>, vector<1x128xf32>
    %add3A_113 = vector.broadcast %get3A_112 : vector<1x128xf32> to vector<10000x128xf32>
    %add3A_114 = arith.addf %add3A_109, %add3A_113 : vector<10000x128xf32>
    %reduce_sum3A_115 = arith.constant dense<0.000000e+00> : vector<128xf32>
    %reduce_sum3A_116 = vector.multi_reduction <add>, %add3A_114, %reduce_sum3A_115 [0] : vector<10000x128xf32> to vector<128xf32>
    %broadcast_in_dim3A_117 = vector.shape_cast %reduce_sum3A_116 : vector<128xf32> to vector<1x128xf32>
    %div3A_118 = arith.constant 1.000000e+04 : f32
    %div3A_119 = vector.broadcast %div3A_118 : f32 to vector<1x128xf32>
    %div3A_120 = arith.divf %broadcast_in_dim3A_117, %div3A_119 : vector<1x128xf32>
    %sub3A_121 = vector.broadcast %div3A_120 : vector<1x128xf32> to vector<10000x128xf32>
    %sub3A_122 = arith.subf %add3A_114, %sub3A_121 : vector<10000x128xf32>
    %integer_pow3A_123 = arith.mulf %sub3A_122, %sub3A_122 : vector<10000x128xf32>
    %reduce_sum3A_124 = arith.constant dense<0.000000e+00> : vector<128xf32>
    %reduce_sum3A_125 = vector.multi_reduction <add>, %integer_pow3A_123, %reduce_sum3A_124 [0] : vector<10000x128xf32> to vector<128xf32>
    %broadcast_in_dim3A_126 = vector.shape_cast %reduce_sum3A_125 : vector<128xf32> to vector<1x128xf32>
    %div3A_127 = arith.constant 1.000000e+04 : f32
    %div3A_128 = vector.broadcast %div3A_127 : f32 to vector<1x128xf32>
    %div3A_129 = arith.divf %broadcast_in_dim3A_126, %div3A_128 : vector<1x128xf32>
    %sub3A_130 = vector.broadcast %div3A_120 : vector<1x128xf32> to vector<10000x128xf32>
    %sub3A_131 = arith.subf %add3A_114, %sub3A_130 : vector<10000x128xf32>
    %add3A_132 = arith.constant 9.99999974E-6 : f32
    %add3A_133 = vector.broadcast %add3A_132 : f32 to vector<1x128xf32>
    %add3A_134 = arith.addf %div3A_129, %add3A_133 : vector<1x128xf32>
    %sqrt3A_135 = math.sqrt %add3A_134 : vector<1x128xf32>
    %div3A_136 = vector.broadcast %sqrt3A_135 : vector<1x128xf32> to vector<10000x128xf32>
    %div3A_137 = arith.divf %sub3A_131, %div3A_136 : vector<10000x128xf32>
    %get3A_138 = arith.constant 0 : index
    %get3A_139 = arith.constant 0 : index
    %get3A_140 = vector.load %arg7[%get3A_138, %get3A_139] : memref<1x256xf32, #tpu.memory_space<vmem>>, vector<1x128xf32>
    %mul3A_141 = vector.broadcast %get3A_140 : vector<1x128xf32> to vector<10000x128xf32>
    %mul3A_142 = arith.mulf %div3A_137, %mul3A_141 : vector<10000x128xf32>
    %get3A_143 = arith.constant 0 : index
    %get3A_144 = arith.constant 0 : index
    %get3A_145 = vector.load %arg8[%get3A_143, %get3A_144] : memref<1x256xf32, #tpu.memory_space<vmem>>, vector<1x128xf32>
    %add3A_146 = vector.broadcast %get3A_145 : vector<1x128xf32> to vector<10000x128xf32>
    %add3A_147 = arith.addf %mul3A_142, %add3A_146 : vector<10000x128xf32>
    %max3A_148 = arith.constant 0.000000e+00 : f32
    %max3A_149 = vector.broadcast %max3A_148 : f32 to vector<10000x128xf32>
    %max3A_150 = arith.maximumf %add3A_147, %max3A_149 : vector<10000x128xf32>
    %get3A_151 = arith.constant 0 : index
    %get3A_152 = arith.constant 128 : index
    %get3A_153 = vector.load %arg5[%get3A_151, %get3A_152] : memref<256x256xf32, #tpu.memory_space<vmem>>, vector<128x128xf32>
    %dot_general3A_154 = arith.constant dense<0.000000e+00> : vector<10000x128xf32>
    %dot_general3A_155 = tpu.matmul %max3A_46, %get3A_153, %dot_general3A_154 {dimension_numbers = #tpu.dot_dimension_numbers<[1], [0], [0], [1], [0, 0, 1, 1], [], []>, transpose_lhs_hint = false} : vector<10000x128xf32>, vector<128x128xf32>, vector<10000x128xf32> -> vector<10000x128xf32>
    %get3A_156 = arith.constant 128 : index
    %get3A_157 = arith.constant 128 : index
    %get3A_158 = vector.load %arg5[%get3A_156, %get3A_157] : memref<256x256xf32, #tpu.memory_space<vmem>>, vector<128x128xf32>
    %dot_general3A_159 = arith.constant dense<0.000000e+00> : vector<10000x128xf32>
    %dot_general3A_160 = tpu.matmul %max3A_98, %get3A_158, %dot_general3A_159 {dimension_numbers = #tpu.dot_dimension_numbers<[1], [0], [0], [1], [0, 0, 1, 1], [], []>, transpose_lhs_hint = false} : vector<10000x128xf32>, vector<128x128xf32>, vector<10000x128xf32> -> vector<10000x128xf32>
    %add3A_161 = arith.addf %dot_general3A_155, %dot_general3A_160 : vector<10000x128xf32>
    %get3A_162 = arith.constant 0 : index
    %get3A_163 = arith.constant 128 : index
    %get3A_164 = vector.load %arg6[%get3A_162, %get3A_163] : memref<1x256xf32, #tpu.memory_space<vmem>>, vector<1x128xf32>
    %add3A_165 = vector.broadcast %get3A_164 : vector<1x128xf32> to vector<10000x128xf32>
    %add3A_166 = arith.addf %add3A_161, %add3A_165 : vector<10000x128xf32>
    %reduce_sum3A_167 = arith.constant dense<0.000000e+00> : vector<128xf32>
    %reduce_sum3A_168 = vector.multi_reduction <add>, %add3A_166, %reduce_sum3A_167 [0] : vector<10000x128xf32> to vector<128xf32>
    %broadcast_in_dim3A_169 = vector.shape_cast %reduce_sum3A_168 : vector<128xf32> to vector<1x128xf32>
    %div3A_170 = arith.constant 1.000000e+04 : f32
    %div3A_171 = vector.broadcast %div3A_170 : f32 to vector<1x128xf32>
    %div3A_172 = arith.divf %broadcast_in_dim3A_169, %div3A_171 : vector<1x128xf32>
    %sub3A_173 = vector.broadcast %div3A_172 : vector<1x128xf32> to vector<10000x128xf32>
    %sub3A_174 = arith.subf %add3A_166, %sub3A_173 : vector<10000x128xf32>
    %integer_pow3A_175 = arith.mulf %sub3A_174, %sub3A_174 : vector<10000x128xf32>
    %reduce_sum3A_176 = arith.constant dense<0.000000e+00> : vector<128xf32>
    %reduce_sum3A_177 = vector.multi_reduction <add>, %integer_pow3A_175, %reduce_sum3A_176 [0] : vector<10000x128xf32> to vector<128xf32>
    %broadcast_in_dim3A_178 = vector.shape_cast %reduce_sum3A_177 : vector<128xf32> to vector<1x128xf32>
    %div3A_179 = arith.constant 1.000000e+04 : f32
    %div3A_180 = vector.broadcast %div3A_179 : f32 to vector<1x128xf32>
    %div3A_181 = arith.divf %broadcast_in_dim3A_178, %div3A_180 : vector<1x128xf32>
    %sub3A_182 = vector.broadcast %div3A_172 : vector<1x128xf32> to vector<10000x128xf32>
    %sub3A_183 = arith.subf %add3A_166, %sub3A_182 : vector<10000x128xf32>
    %add3A_184 = arith.constant 9.99999974E-6 : f32
    %add3A_185 = vector.broadcast %add3A_184 : f32 to vector<1x128xf32>
    %add3A_186 = arith.addf %div3A_181, %add3A_185 : vector<1x128xf32>
    %sqrt3A_187 = math.sqrt %add3A_186 : vector<1x128xf32>
    %div3A_188 = vector.broadcast %sqrt3A_187 : vector<1x128xf32> to vector<10000x128xf32>
    %div3A_189 = arith.divf %sub3A_183, %div3A_188 : vector<10000x128xf32>
    %get3A_190 = arith.constant 0 : index
    %get3A_191 = arith.constant 128 : index
    %get3A_192 = vector.load %arg7[%get3A_190, %get3A_191] : memref<1x256xf32, #tpu.memory_space<vmem>>, vector<1x128xf32>
    %mul3A_193 = vector.broadcast %get3A_192 : vector<1x128xf32> to vector<10000x128xf32>
    %mul3A_194 = arith.mulf %div3A_189, %mul3A_193 : vector<10000x128xf32>
    %get3A_195 = arith.constant 0 : index
    %get3A_196 = arith.constant 128 : index
    %get3A_197 = vector.load %arg8[%get3A_195, %get3A_196] : memref<1x256xf32, #tpu.memory_space<vmem>>, vector<1x128xf32>
    %add3A_198 = vector.broadcast %get3A_197 : vector<1x128xf32> to vector<10000x128xf32>
    %add3A_199 = arith.addf %mul3A_194, %add3A_198 : vector<10000x128xf32>
    %max3A_200 = arith.constant 0.000000e+00 : f32
    %max3A_201 = vector.broadcast %max3A_200 : f32 to vector<10000x128xf32>
    %max3A_202 = arith.maximumf %add3A_199, %max3A_201 : vector<10000x128xf32>
    %swap3A = arith.constant 0 : index
    %swap3A_203 = arith.constant 0 : index
    %swap3A_204 = vector.load %arg9[%swap3A, %swap3A_203] : memref<20000x128xf32, #tpu.memory_space<vmem>>, vector<10000x128xf32>
    tpu.vector_store %arg9[%swap3A, %swap3A_203], %max3A_150 {strides = array<i32>} : memref<20000x128xf32, #tpu.memory_space<vmem>>, vector<10000x128xf32>,
    %swap3A_205 = arith.constant 10000 : index
    %swap3A_206 = arith.constant 0 : index
    %swap3A_207 = vector.load %arg9[%swap3A_205, %swap3A_206] : memref<20000x128xf32, #tpu.memory_space<vmem>>, vector<10000x128xf32>
    tpu.vector_store %arg9[%swap3A_205, %swap3A_206], %max3A_202 {strides = array<i32>} : memref<20000x128xf32, #tpu.memory_space<vmem>>, vector<10000x128xf32>,
    return
  }
}

module attributes {stable_mosaic.version = 14 : i64} {
  func.func @_pool0_body(%arg0: memref<20000x128xf32, #tpu.memory_space<vmem>>, %arg1: memref<10000x1xi32, #tpu.memory_space<vmem>>, %arg2: memref<256x32xf32, #tpu.memory_space<vmem>>, %arg3: memref<1x32xf32, #tpu.memory_space<vmem>>, %arg4: memref<128x32xf32, #tpu.memory_space<vmem>>) attributes {dimension_semantics = [], scalar_prefetch = 0 : i64, scratch_operands = 0 : i64, tpu.core_type = #tpu.core_type<tc>} {
    %iota3A = tpu.iota {dimensions = array<i32: 1>} : vector<1x128xi32>
    %get3A = arith.constant 0 : index
    %get3A_0 = arith.constant 0 : index
    %get3A_1 = vector.load %arg1[%get3A, %get3A_0] : memref<10000x1xi32, #tpu.memory_space<vmem>>, vector<10000x1xi32>
    %eq3A = vector.broadcast %get3A_1 : vector<10000x1xi32> to vector<10000x128xi32>
    %eq3A_2 = vector.broadcast %iota3A : vector<1x128xi32> to vector<10000x128xi32>
    %eq3A_3 = arith.cmpi eq, %eq3A, %eq3A_2 : vector<10000x128xi32>
    %convert_element_type3A = arith.extui %eq3A_3 : vector<10000x128xi1> to vector<10000x128xi32>
    %convert_element_type3A_4 = arith.sitofp %convert_element_type3A : vector<10000x128xi32> to vector<10000x128xf32>
    %get3A_5 = arith.constant 0 : index
    %get3A_6 = arith.constant 0 : index
    %get3A_7 = vector.load %arg0[%get3A_5, %get3A_6] : memref<20000x128xf32, #tpu.memory_space<vmem>>, vector<10000x128xf32>
    %get3A_8 = arith.constant 10000 : index
    %get3A_9 = arith.constant 0 : index
    %get3A_10 = vector.load %arg0[%get3A_8, %get3A_9] : memref<20000x128xf32, #tpu.memory_space<vmem>>, vector<10000x128xf32>
    %dot_general3A = arith.constant dense<0.000000e+00> : vector<128x128xf32>
    %dot_general3A_11 = tpu.matmul %convert_element_type3A_4, %get3A_7, %dot_general3A {dimension_numbers = #tpu.dot_dimension_numbers<[0], [0], [1], [1], [0, 1, 1, 1], [], []>, transpose_lhs_hint = false} : vector<10000x128xf32>, vector<10000x128xf32>, vector<128x128xf32> -> vector<128x128xf32>
    %dot_general3A_12 = arith.constant dense<0.000000e+00> : vector<128x128xf32>
    %dot_general3A_13 = tpu.matmul %convert_element_type3A_4, %get3A_10, %dot_general3A_12 {dimension_numbers = #tpu.dot_dimension_numbers<[0], [0], [1], [1], [0, 1, 1, 1], [], []>, transpose_lhs_hint = false} : vector<10000x128xf32>, vector<10000x128xf32>, vector<128x128xf32> -> vector<128x128xf32>
    %get3A_14 = arith.constant 0 : index
    %get3A_15 = arith.constant 0 : index
    %get3A_16 = vector.load %arg2[%get3A_14, %get3A_15] : memref<256x32xf32, #tpu.memory_space<vmem>>, vector<128x32xf32>
    %dot_general3A_17 = arith.constant dense<0.000000e+00> : vector<128x32xf32>
    %dot_general3A_18 = tpu.matmul %dot_general3A_11, %get3A_16, %dot_general3A_17 {dimension_numbers = #tpu.dot_dimension_numbers<[1], [0], [0], [1], [0, 0, 1, 1], [], []>, transpose_lhs_hint = false} : vector<128x128xf32>, vector<128x32xf32>, vector<128x32xf32> -> vector<128x32xf32>
    %get3A_19 = arith.constant 128 : index
    %get3A_20 = arith.constant 0 : index
    %get3A_21 = vector.load %arg2[%get3A_19, %get3A_20] : memref<256x32xf32, #tpu.memory_space<vmem>>, vector<128x32xf32>
    %dot_general3A_22 = arith.constant dense<0.000000e+00> : vector<128x32xf32>
    %dot_general3A_23 = tpu.matmul %dot_general3A_13, %get3A_21, %dot_general3A_22 {dimension_numbers = #tpu.dot_dimension_numbers<[1], [0], [0], [1], [0, 0, 1, 1], [], []>, transpose_lhs_hint = false} : vector<128x128xf32>, vector<128x32xf32>, vector<128x32xf32> -> vector<128x32xf32>
    %add3A = arith.addf %dot_general3A_18, %dot_general3A_23 : vector<128x32xf32>
    %get3A_24 = arith.constant 0 : index
    %get3A_25 = arith.constant 0 : index
    %get3A_26 = vector.load %arg3[%get3A_24, %get3A_25] : memref<1x32xf32, #tpu.memory_space<vmem>>, vector<1x32xf32>
    %add3A_27 = vector.broadcast %get3A_26 : vector<1x32xf32> to vector<128x32xf32>
    %add3A_28 = arith.addf %add3A, %add3A_27 : vector<128x32xf32>
    %swap3A = arith.constant 0 : index
    %swap3A_29 = arith.constant 0 : index
    %swap3A_30 = vector.load %arg4[%swap3A, %swap3A_29] : memref<128x32xf32, #tpu.memory_space<vmem>>, vector<128x32xf32>
    tpu.vector_store %arg4[%swap3A, %swap3A_29], %add3A_28 {strides = array<i32>} : memref<128x32xf32, #tpu.memory_space<vmem>>, vector<128x32xf32>,
    return
  }
}

module attributes {stable_mosaic.version = 14 : i64} {
  func.func @_last_layer_pool_body(%arg0: memref<20000x128xf32, #tpu.memory_space<vmem>>, %arg1: memref<256x256xf32, #tpu.memory_space<vmem>>, %arg2: memref<1x256xf32, #tpu.memory_space<vmem>>, %arg3: memref<1x256xf32, #tpu.memory_space<vmem>>, %arg4: memref<1x256xf32, #tpu.memory_space<vmem>>, %arg5: memref<256x256xf32, #tpu.memory_space<vmem>>, %arg6: memref<1x256xf32, #tpu.memory_space<vmem>>, %arg7: memref<1x256xf32, #tpu.memory_space<vmem>>, %arg8: memref<1x256xf32, #tpu.memory_space<vmem>>, %arg9: memref<128x32xf32, #tpu.memory_space<vmem>>, %arg10: memref<10000x1xi32, #tpu.memory_space<vmem>>, %arg11: memref<256x32xf32, #tpu.memory_space<vmem>>, %arg12: memref<1x32xf32, #tpu.memory_space<vmem>>, %arg13: memref<32x64xf32, #tpu.memory_space<vmem>>, %arg14: memref<1x64xf32, #tpu.memory_space<vmem>>, %arg15: memref<128x64xf32, #tpu.memory_space<vmem>>) attributes {dimension_semantics = [], scalar_prefetch = 0 : i64, scratch_operands = 0 : i64, tpu.core_type = #tpu.core_type<tc>} {
    %get3A = arith.constant 0 : index
    %get3A_0 = arith.constant 0 : index
    %get3A_1 = vector.load %arg0[%get3A, %get3A_0] : memref<20000x128xf32, #tpu.memory_space<vmem>>, vector<10000x128xf32>
    %get3A_2 = arith.constant 10000 : index
    %get3A_3 = arith.constant 0 : index
    %get3A_4 = vector.load %arg0[%get3A_2, %get3A_3] : memref<20000x128xf32, #tpu.memory_space<vmem>>, vector<10000x128xf32>
    %get3A_5 = arith.constant 0 : index
    %get3A_6 = arith.constant 0 : index
    %get3A_7 = vector.load %arg1[%get3A_5, %get3A_6] : memref<256x256xf32, #tpu.memory_space<vmem>>, vector<128x128xf32>
    %dot_general3A = arith.constant dense<0.000000e+00> : vector<10000x128xf32>
    %dot_general3A_8 = tpu.matmul %get3A_1, %get3A_7, %dot_general3A {dimension_numbers = #tpu.dot_dimension_numbers<[1], [0], [0], [1], [0, 0, 1, 1], [], []>, transpose_lhs_hint = false} : vector<10000x128xf32>, vector<128x128xf32>, vector<10000x128xf32> -> vector<10000x128xf32>
    %get3A_9 = arith.constant 128 : index
    %get3A_10 = arith.constant 0 : index
    %get3A_11 = vector.load %arg1[%get3A_9, %get3A_10] : memref<256x256xf32, #tpu.memory_space<vmem>>, vector<128x128xf32>
    %dot_general3A_12 = arith.constant dense<0.000000e+00> : vector<10000x128xf32>
    %dot_general3A_13 = tpu.matmul %get3A_4, %get3A_11, %dot_general3A_12 {dimension_numbers = #tpu.dot_dimension_numbers<[1], [0], [0], [1], [0, 0, 1, 1], [], []>, transpose_lhs_hint = false} : vector<10000x128xf32>, vector<128x128xf32>, vector<10000x128xf32> -> vector<10000x128xf32>
    %add3A = arith.addf %dot_general3A_8, %dot_general3A_13 : vector<10000x128xf32>
    %get3A_14 = arith.constant 0 : index
    %get3A_15 = arith.constant 0 : index
    %get3A_16 = vector.load %arg2[%get3A_14, %get3A_15] : memref<1x256xf32, #tpu.memory_space<vmem>>, vector<1x128xf32>
    %add3A_17 = vector.broadcast %get3A_16 : vector<1x128xf32> to vector<10000x128xf32>
    %add3A_18 = arith.addf %add3A, %add3A_17 : vector<10000x128xf32>
    %reduce_sum3A = arith.constant dense<0.000000e+00> : vector<128xf32>
    %reduce_sum3A_19 = vector.multi_reduction <add>, %add3A_18, %reduce_sum3A [0] : vector<10000x128xf32> to vector<128xf32>
    %broadcast_in_dim3A = vector.shape_cast %reduce_sum3A_19 : vector<128xf32> to vector<1x128xf32>
    %div3A = arith.constant 1.000000e+04 : f32
    %div3A_20 = vector.broadcast %div3A : f32 to vector<1x128xf32>
    %div3A_21 = arith.divf %broadcast_in_dim3A, %div3A_20 : vector<1x128xf32>
    %sub3A = vector.broadcast %div3A_21 : vector<1x128xf32> to vector<10000x128xf32>
    %sub3A_22 = arith.subf %add3A_18, %sub3A : vector<10000x128xf32>
    %integer_pow3A = arith.mulf %sub3A_22, %sub3A_22 : vector<10000x128xf32>
    %reduce_sum3A_23 = arith.constant dense<0.000000e+00> : vector<128xf32>
    %reduce_sum3A_24 = vector.multi_reduction <add>, %integer_pow3A, %reduce_sum3A_23 [0] : vector<10000x128xf32> to vector<128xf32>
    %broadcast_in_dim3A_25 = vector.shape_cast %reduce_sum3A_24 : vector<128xf32> to vector<1x128xf32>
    %div3A_26 = arith.constant 1.000000e+04 : f32
    %div3A_27 = vector.broadcast %div3A_26 : f32 to vector<1x128xf32>
    %div3A_28 = arith.divf %broadcast_in_dim3A_25, %div3A_27 : vector<1x128xf32>
    %sub3A_29 = vector.broadcast %div3A_21 : vector<1x128xf32> to vector<10000x128xf32>
    %sub3A_30 = arith.subf %add3A_18, %sub3A_29 : vector<10000x128xf32>
    %add3A_31 = arith.constant 9.99999974E-6 : f32
    %add3A_32 = vector.broadcast %add3A_31 : f32 to vector<1x128xf32>
    %add3A_33 = arith.addf %div3A_28, %add3A_32 : vector<1x128xf32>
    %sqrt3A = math.sqrt %add3A_33 : vector<1x128xf32>
    %div3A_34 = vector.broadcast %sqrt3A : vector<1x128xf32> to vector<10000x128xf32>
    %div3A_35 = arith.divf %sub3A_30, %div3A_34 : vector<10000x128xf32>
    %get3A_36 = arith.constant 0 : index
    %get3A_37 = arith.constant 0 : index
    %get3A_38 = vector.load %arg3[%get3A_36, %get3A_37] : memref<1x256xf32, #tpu.memory_space<vmem>>, vector<1x128xf32>
    %mul3A = vector.broadcast %get3A_38 : vector<1x128xf32> to vector<10000x128xf32>
    %mul3A_39 = arith.mulf %div3A_35, %mul3A : vector<10000x128xf32>
    %get3A_40 = arith.constant 0 : index
    %get3A_41 = arith.constant 0 : index
    %get3A_42 = vector.load %arg4[%get3A_40, %get3A_41] : memref<1x256xf32, #tpu.memory_space<vmem>>, vector<1x128xf32>
    %add3A_43 = vector.broadcast %get3A_42 : vector<1x128xf32> to vector<10000x128xf32>
    %add3A_44 = arith.addf %mul3A_39, %add3A_43 : vector<10000x128xf32>
    %max3A = arith.constant 0.000000e+00 : f32
    %max3A_45 = vector.broadcast %max3A : f32 to vector<10000x128xf32>
    %max3A_46 = arith.maximumf %add3A_44, %max3A_45 : vector<10000x128xf32>
    %get3A_47 = arith.constant 0 : index
    %get3A_48 = arith.constant 128 : index
    %get3A_49 = vector.load %arg1[%get3A_47, %get3A_48] : memref<256x256xf32, #tpu.memory_space<vmem>>, vector<128x128xf32>
    %dot_general3A_50 = arith.constant dense<0.000000e+00> : vector<10000x128xf32>
    %dot_general3A_51 = tpu.matmul %get3A_1, %get3A_49, %dot_general3A_50 {dimension_numbers = #tpu.dot_dimension_numbers<[1], [0], [0], [1], [0, 0, 1, 1], [], []>, transpose_lhs_hint = false} : vector<10000x128xf32>, vector<128x128xf32>, vector<10000x128xf32> -> vector<10000x128xf32>
    %get3A_52 = arith.constant 128 : index
    %get3A_53 = arith.constant 128 : index
    %get3A_54 = vector.load %arg1[%get3A_52, %get3A_53] : memref<256x256xf32, #tpu.memory_space<vmem>>, vector<128x128xf32>
    %dot_general3A_55 = arith.constant dense<0.000000e+00> : vector<10000x128xf32>
    %dot_general3A_56 = tpu.matmul %get3A_4, %get3A_54, %dot_general3A_55 {dimension_numbers = #tpu.dot_dimension_numbers<[1], [0], [0], [1], [0, 0, 1, 1], [], []>, transpose_lhs_hint = false} : vector<10000x128xf32>, vector<128x128xf32>, vector<10000x128xf32> -> vector<10000x128xf32>
    %add3A_57 = arith.addf %dot_general3A_51, %dot_general3A_56 : vector<10000x128xf32>
    %get3A_58 = arith.constant 0 : index
    %get3A_59 = arith.constant 128 : index
    %get3A_60 = vector.load %arg2[%get3A_58, %get3A_59] : memref<1x256xf32, #tpu.memory_space<vmem>>, vector<1x128xf32>
    %add3A_61 = vector.broadcast %get3A_60 : vector<1x128xf32> to vector<10000x128xf32>
    %add3A_62 = arith.addf %add3A_57, %add3A_61 : vector<10000x128xf32>
    %reduce_sum3A_63 = arith.constant dense<0.000000e+00> : vector<128xf32>
    %reduce_sum3A_64 = vector.multi_reduction <add>, %add3A_62, %reduce_sum3A_63 [0] : vector<10000x128xf32> to vector<128xf32>
    %broadcast_in_dim3A_65 = vector.shape_cast %reduce_sum3A_64 : vector<128xf32> to vector<1x128xf32>
    %div3A_66 = arith.constant 1.000000e+04 : f32
    %div3A_67 = vector.broadcast %div3A_66 : f32 to vector<1x128xf32>
    %div3A_68 = arith.divf %broadcast_in_dim3A_65, %div3A_67 : vector<1x128xf32>
    %sub3A_69 = vector.broadcast %div3A_68 : vector<1x128xf32> to vector<10000x128xf32>
    %sub3A_70 = arith.subf %add3A_62, %sub3A_69 : vector<10000x128xf32>
    %integer_pow3A_71 = arith.mulf %sub3A_70, %sub3A_70 : vector<10000x128xf32>
    %reduce_sum3A_72 = arith.constant dense<0.000000e+00> : vector<128xf32>
    %reduce_sum3A_73 = vector.multi_reduction <add>, %integer_pow3A_71, %reduce_sum3A_72 [0] : vector<10000x128xf32> to vector<128xf32>
    %broadcast_in_dim3A_74 = vector.shape_cast %reduce_sum3A_73 : vector<128xf32> to vector<1x128xf32>
    %div3A_75 = arith.constant 1.000000e+04 : f32
    %div3A_76 = vector.broadcast %div3A_75 : f32 to vector<1x128xf32>
    %div3A_77 = arith.divf %broadcast_in_dim3A_74, %div3A_76 : vector<1x128xf32>
    %sub3A_78 = vector.broadcast %div3A_68 : vector<1x128xf32> to vector<10000x128xf32>
    %sub3A_79 = arith.subf %add3A_62, %sub3A_78 : vector<10000x128xf32>
    %add3A_80 = arith.constant 9.99999974E-6 : f32
    %add3A_81 = vector.broadcast %add3A_80 : f32 to vector<1x128xf32>
    %add3A_82 = arith.addf %div3A_77, %add3A_81 : vector<1x128xf32>
    %sqrt3A_83 = math.sqrt %add3A_82 : vector<1x128xf32>
    %div3A_84 = vector.broadcast %sqrt3A_83 : vector<1x128xf32> to vector<10000x128xf32>
    %div3A_85 = arith.divf %sub3A_79, %div3A_84 : vector<10000x128xf32>
    %get3A_86 = arith.constant 0 : index
    %get3A_87 = arith.constant 128 : index
    %get3A_88 = vector.load %arg3[%get3A_86, %get3A_87] : memref<1x256xf32, #tpu.memory_space<vmem>>, vector<1x128xf32>
    %mul3A_89 = vector.broadcast %get3A_88 : vector<1x128xf32> to vector<10000x128xf32>
    %mul3A_90 = arith.mulf %div3A_85, %mul3A_89 : vector<10000x128xf32>
    %get3A_91 = arith.constant 0 : index
    %get3A_92 = arith.constant 128 : index
    %get3A_93 = vector.load %arg4[%get3A_91, %get3A_92] : memref<1x256xf32, #tpu.memory_space<vmem>>, vector<1x128xf32>
    %add3A_94 = vector.broadcast %get3A_93 : vector<1x128xf32> to vector<10000x128xf32>
    %add3A_95 = arith.addf %mul3A_90, %add3A_94 : vector<10000x128xf32>
    %max3A_96 = arith.constant 0.000000e+00 : f32
    %max3A_97 = vector.broadcast %max3A_96 : f32 to vector<10000x128xf32>
    %max3A_98 = arith.maximumf %add3A_95, %max3A_97 : vector<10000x128xf32>
    %get3A_99 = arith.constant 0 : index
    %get3A_100 = arith.constant 0 : index
    %get3A_101 = vector.load %arg5[%get3A_99, %get3A_100] : memref<256x256xf32, #tpu.memory_space<vmem>>, vector<128x128xf32>
    %dot_general3A_102 = arith.constant dense<0.000000e+00> : vector<10000x128xf32>
    %dot_general3A_103 = tpu.matmul %max3A_46, %get3A_101, %dot_general3A_102 {dimension_numbers = #tpu.dot_dimension_numbers<[1], [0], [0], [1], [0, 0, 1, 1], [], []>, transpose_lhs_hint = false} : vector<10000x128xf32>, vector<128x128xf32>, vector<10000x128xf32> -> vector<10000x128xf32>
    %get3A_104 = arith.constant 128 : index
    %get3A_105 = arith.constant 0 : index
    %get3A_106 = vector.load %arg5[%get3A_104, %get3A_105] : memref<256x256xf32, #tpu.memory_space<vmem>>, vector<128x128xf32>
    %dot_general3A_107 = arith.constant dense<0.000000e+00> : vector<10000x128xf32>
    %dot_general3A_108 = tpu.matmul %max3A_98, %get3A_106, %dot_general3A_107 {dimension_numbers = #tpu.dot_dimension_numbers<[1], [0], [0], [1], [0, 0, 1, 1], [], []>, transpose_lhs_hint = false} : vector<10000x128xf32>, vector<128x128xf32>, vector<10000x128xf32> -> vector<10000x128xf32>
    %add3A_109 = arith.addf %dot_general3A_103, %dot_general3A_108 : vector<10000x128xf32>
    %get3A_110 = arith.constant 0 : index
    %get3A_111 = arith.constant 0 : index
    %get3A_112 = vector.load %arg6[%get3A_110, %get3A_111] : memref<1x256xf32, #tpu.memory_space<vmem>>, vector<1x128xf32>
    %add3A_113 = vector.broadcast %get3A_112 : vector<1x128xf32> to vector<10000x128xf32>
    %add3A_114 = arith.addf %add3A_109, %add3A_113 : vector<10000x128xf32>
    %reduce_sum3A_115 = arith.constant dense<0.000000e+00> : vector<128xf32>
    %reduce_sum3A_116 = vector.multi_reduction <add>, %add3A_114, %reduce_sum3A_115 [0] : vector<10000x128xf32> to vector<128xf32>
    %broadcast_in_dim3A_117 = vector.shape_cast %reduce_sum3A_116 : vector<128xf32> to vector<1x128xf32>
    %div3A_118 = arith.constant 1.000000e+04 : f32
    %div3A_119 = vector.broadcast %div3A_118 : f32 to vector<1x128xf32>
    %div3A_120 = arith.divf %broadcast_in_dim3A_117, %div3A_119 : vector<1x128xf32>
    %sub3A_121 = vector.broadcast %div3A_120 : vector<1x128xf32> to vector<10000x128xf32>
    %sub3A_122 = arith.subf %add3A_114, %sub3A_121 : vector<10000x128xf32>
    %integer_pow3A_123 = arith.mulf %sub3A_122, %sub3A_122 : vector<10000x128xf32>
    %reduce_sum3A_124 = arith.constant dense<0.000000e+00> : vector<128xf32>
    %reduce_sum3A_125 = vector.multi_reduction <add>, %integer_pow3A_123, %reduce_sum3A_124 [0] : vector<10000x128xf32> to vector<128xf32>
    %broadcast_in_dim3A_126 = vector.shape_cast %reduce_sum3A_125 : vector<128xf32> to vector<1x128xf32>
    %div3A_127 = arith.constant 1.000000e+04 : f32
    %div3A_128 = vector.broadcast %div3A_127 : f32 to vector<1x128xf32>
    %div3A_129 = arith.divf %broadcast_in_dim3A_126, %div3A_128 : vector<1x128xf32>
    %sub3A_130 = vector.broadcast %div3A_120 : vector<1x128xf32> to vector<10000x128xf32>
    %sub3A_131 = arith.subf %add3A_114, %sub3A_130 : vector<10000x128xf32>
    %add3A_132 = arith.constant 9.99999974E-6 : f32
    %add3A_133 = vector.broadcast %add3A_132 : f32 to vector<1x128xf32>
    %add3A_134 = arith.addf %div3A_129, %add3A_133 : vector<1x128xf32>
    %sqrt3A_135 = math.sqrt %add3A_134 : vector<1x128xf32>
    %div3A_136 = vector.broadcast %sqrt3A_135 : vector<1x128xf32> to vector<10000x128xf32>
    %div3A_137 = arith.divf %sub3A_131, %div3A_136 : vector<10000x128xf32>
    %get3A_138 = arith.constant 0 : index
    %get3A_139 = arith.constant 0 : index
    %get3A_140 = vector.load %arg7[%get3A_138, %get3A_139] : memref<1x256xf32, #tpu.memory_space<vmem>>, vector<1x128xf32>
    %mul3A_141 = vector.broadcast %get3A_140 : vector<1x128xf32> to vector<10000x128xf32>
    %mul3A_142 = arith.mulf %div3A_137, %mul3A_141 : vector<10000x128xf32>
    %get3A_143 = arith.constant 0 : index
    %get3A_144 = arith.constant 0 : index
    %get3A_145 = vector.load %arg8[%get3A_143, %get3A_144] : memref<1x256xf32, #tpu.memory_space<vmem>>, vector<1x128xf32>
    %add3A_146 = vector.broadcast %get3A_145 : vector<1x128xf32> to vector<10000x128xf32>
    %add3A_147 = arith.addf %mul3A_142, %add3A_146 : vector<10000x128xf32>
    %max3A_148 = arith.constant 0.000000e+00 : f32
    %max3A_149 = vector.broadcast %max3A_148 : f32 to vector<10000x128xf32>
    %max3A_150 = arith.maximumf %add3A_147, %max3A_149 : vector<10000x128xf32>
    %get3A_151 = arith.constant 0 : index
    %get3A_152 = arith.constant 128 : index
    %get3A_153 = vector.load %arg5[%get3A_151, %get3A_152] : memref<256x256xf32, #tpu.memory_space<vmem>>, vector<128x128xf32>
    %dot_general3A_154 = arith.constant dense<0.000000e+00> : vector<10000x128xf32>
    %dot_general3A_155 = tpu.matmul %max3A_46, %get3A_153, %dot_general3A_154 {dimension_numbers = #tpu.dot_dimension_numbers<[1], [0], [0], [1], [0, 0, 1, 1], [], []>, transpose_lhs_hint = false} : vector<10000x128xf32>, vector<128x128xf32>, vector<10000x128xf32> -> vector<10000x128xf32>
    %get3A_156 = arith.constant 128 : index
    %get3A_157 = arith.constant 128 : index
    %get3A_158 = vector.load %arg5[%get3A_156, %get3A_157] : memref<256x256xf32, #tpu.memory_space<vmem>>, vector<128x128xf32>
    %dot_general3A_159 = arith.constant dense<0.000000e+00> : vector<10000x128xf32>
    %dot_general3A_160 = tpu.matmul %max3A_98, %get3A_158, %dot_general3A_159 {dimension_numbers = #tpu.dot_dimension_numbers<[1], [0], [0], [1], [0, 0, 1, 1], [], []>, transpose_lhs_hint = false} : vector<10000x128xf32>, vector<128x128xf32>, vector<10000x128xf32> -> vector<10000x128xf32>
    %add3A_161 = arith.addf %dot_general3A_155, %dot_general3A_160 : vector<10000x128xf32>
    %get3A_162 = arith.constant 0 : index
    %get3A_163 = arith.constant 128 : index
    %get3A_164 = vector.load %arg6[%get3A_162, %get3A_163] : memref<1x256xf32, #tpu.memory_space<vmem>>, vector<1x128xf32>
    %add3A_165 = vector.broadcast %get3A_164 : vector<1x128xf32> to vector<10000x128xf32>
    %add3A_166 = arith.addf %add3A_161, %add3A_165 : vector<10000x128xf32>
    %reduce_sum3A_167 = arith.constant dense<0.000000e+00> : vector<128xf32>
    %reduce_sum3A_168 = vector.multi_reduction <add>, %add3A_166, %reduce_sum3A_167 [0] : vector<10000x128xf32> to vector<128xf32>
    %broadcast_in_dim3A_169 = vector.shape_cast %reduce_sum3A_168 : vector<128xf32> to vector<1x128xf32>
    %div3A_170 = arith.constant 1.000000e+04 : f32
    %div3A_171 = vector.broadcast %div3A_170 : f32 to vector<1x128xf32>
    %div3A_172 = arith.divf %broadcast_in_dim3A_169, %div3A_171 : vector<1x128xf32>
    %sub3A_173 = vector.broadcast %div3A_172 : vector<1x128xf32> to vector<10000x128xf32>
    %sub3A_174 = arith.subf %add3A_166, %sub3A_173 : vector<10000x128xf32>
    %integer_pow3A_175 = arith.mulf %sub3A_174, %sub3A_174 : vector<10000x128xf32>
    %reduce_sum3A_176 = arith.constant dense<0.000000e+00> : vector<128xf32>
    %reduce_sum3A_177 = vector.multi_reduction <add>, %integer_pow3A_175, %reduce_sum3A_176 [0] : vector<10000x128xf32> to vector<128xf32>
    %broadcast_in_dim3A_178 = vector.shape_cast %reduce_sum3A_177 : vector<128xf32> to vector<1x128xf32>
    %div3A_179 = arith.constant 1.000000e+04 : f32
    %div3A_180 = vector.broadcast %div3A_179 : f32 to vector<1x128xf32>
    %div3A_181 = arith.divf %broadcast_in_dim3A_178, %div3A_180 : vector<1x128xf32>
    %sub3A_182 = vector.broadcast %div3A_172 : vector<1x128xf32> to vector<10000x128xf32>
    %sub3A_183 = arith.subf %add3A_166, %sub3A_182 : vector<10000x128xf32>
    %add3A_184 = arith.constant 9.99999974E-6 : f32
    %add3A_185 = vector.broadcast %add3A_184 : f32 to vector<1x128xf32>
    %add3A_186 = arith.addf %div3A_181, %add3A_185 : vector<1x128xf32>
    %sqrt3A_187 = math.sqrt %add3A_186 : vector<1x128xf32>
    %div3A_188 = vector.broadcast %sqrt3A_187 : vector<1x128xf32> to vector<10000x128xf32>
    %div3A_189 = arith.divf %sub3A_183, %div3A_188 : vector<10000x128xf32>
    %get3A_190 = arith.constant 0 : index
    %get3A_191 = arith.constant 128 : index
    %get3A_192 = vector.load %arg7[%get3A_190, %get3A_191] : memref<1x256xf32, #tpu.memory_space<vmem>>, vector<1x128xf32>
    %mul3A_193 = vector.broadcast %get3A_192 : vector<1x128xf32> to vector<10000x128xf32>
    %mul3A_194 = arith.mulf %div3A_189, %mul3A_193 : vector<10000x128xf32>
    %get3A_195 = arith.constant 0 : index
    %get3A_196 = arith.constant 128 : index
    %get3A_197 = vector.load %arg8[%get3A_195, %get3A_196] : memref<1x256xf32, #tpu.memory_space<vmem>>, vector<1x128xf32>
    %add3A_198 = vector.broadcast %get3A_197 : vector<1x128xf32> to vector<10000x128xf32>
    %add3A_199 = arith.addf %mul3A_194, %add3A_198 : vector<10000x128xf32>
    %max3A_200 = arith.constant 0.000000e+00 : f32
    %max3A_201 = vector.broadcast %max3A_200 : f32 to vector<10000x128xf32>
    %max3A_202 = arith.maximumf %add3A_199, %max3A_201 : vector<10000x128xf32>
    %iota3A = tpu.iota {dimensions = array<i32: 1>} : vector<1x128xi32>
    %get3A_203 = arith.constant 0 : index
    %get3A_204 = arith.constant 0 : index
    %get3A_205 = vector.load %arg10[%get3A_203, %get3A_204] : memref<10000x1xi32, #tpu.memory_space<vmem>>, vector<10000x1xi32>
    %eq3A = vector.broadcast %get3A_205 : vector<10000x1xi32> to vector<10000x128xi32>
    %eq3A_206 = vector.broadcast %iota3A : vector<1x128xi32> to vector<10000x128xi32>
    %eq3A_207 = arith.cmpi eq, %eq3A, %eq3A_206 : vector<10000x128xi32>
    %convert_element_type3A = arith.extui %eq3A_207 : vector<10000x128xi1> to vector<10000x128xi32>
    %convert_element_type3A_208 = arith.sitofp %convert_element_type3A : vector<10000x128xi32> to vector<10000x128xf32>
    %get3A_209 = arith.constant 0 : index
    %get3A_210 = arith.constant 0 : index
    %get3A_211 = vector.load %arg9[%get3A_209, %get3A_210] : memref<128x32xf32, #tpu.memory_space<vmem>>, vector<128x32xf32>
    %dot_general3A_212 = arith.constant dense<0.000000e+00> : vector<128x128xf32>
    %dot_general3A_213 = tpu.matmul %convert_element_type3A_208, %max3A_150, %dot_general3A_212 {dimension_numbers = #tpu.dot_dimension_numbers<[0], [0], [1], [1], [0, 1, 1, 1], [], []>, transpose_lhs_hint = false} : vector<10000x128xf32>, vector<10000x128xf32>, vector<128x128xf32> -> vector<128x128xf32>
    %dot_general3A_214 = arith.constant dense<0.000000e+00> : vector<128x128xf32>
    %dot_general3A_215 = tpu.matmul %convert_element_type3A_208, %max3A_202, %dot_general3A_214 {dimension_numbers = #tpu.dot_dimension_numbers<[0], [0], [1], [1], [0, 1, 1, 1], [], []>, transpose_lhs_hint = false} : vector<10000x128xf32>, vector<10000x128xf32>, vector<128x128xf32> -> vector<128x128xf32>
    %get3A_216 = arith.constant 0 : index
    %get3A_217 = arith.constant 0 : index
    %get3A_218 = vector.load %arg11[%get3A_216, %get3A_217] : memref<256x32xf32, #tpu.memory_space<vmem>>, vector<128x32xf32>
    %dot_general3A_219 = arith.constant dense<0.000000e+00> : vector<128x32xf32>
    %dot_general3A_220 = tpu.matmul %dot_general3A_213, %get3A_218, %dot_general3A_219 {dimension_numbers = #tpu.dot_dimension_numbers<[1], [0], [0], [1], [0, 0, 1, 1], [], []>, transpose_lhs_hint = false} : vector<128x128xf32>, vector<128x32xf32>, vector<128x32xf32> -> vector<128x32xf32>
    %get3A_221 = arith.constant 128 : index
    %get3A_222 = arith.constant 0 : index
    %get3A_223 = vector.load %arg11[%get3A_221, %get3A_222] : memref<256x32xf32, #tpu.memory_space<vmem>>, vector<128x32xf32>
    %dot_general3A_224 = arith.constant dense<0.000000e+00> : vector<128x32xf32>
    %dot_general3A_225 = tpu.matmul %dot_general3A_215, %get3A_223, %dot_general3A_224 {dimension_numbers = #tpu.dot_dimension_numbers<[1], [0], [0], [1], [0, 0, 1, 1], [], []>, transpose_lhs_hint = false} : vector<128x128xf32>, vector<128x32xf32>, vector<128x32xf32> -> vector<128x32xf32>
    %add3A_226 = arith.addf %dot_general3A_220, %dot_general3A_225 : vector<128x32xf32>
    %add3A_227 = arith.addf %get3A_211, %add3A_226 : vector<128x32xf32>
    %get3A_228 = arith.constant 0 : index
    %get3A_229 = arith.constant 0 : index
    %get3A_230 = vector.load %arg12[%get3A_228, %get3A_229] : memref<1x32xf32, #tpu.memory_space<vmem>>, vector<1x32xf32>
    %add3A_231 = vector.broadcast %get3A_230 : vector<1x32xf32> to vector<128x32xf32>
    %add3A_232 = arith.addf %add3A_227, %add3A_231 : vector<128x32xf32>
    %max3A_233 = arith.constant 0.000000e+00 : f32
    %max3A_234 = vector.broadcast %max3A_233 : f32 to vector<128x32xf32>
    %max3A_235 = arith.maximumf %add3A_232, %max3A_234 : vector<128x32xf32>
    %get3A_236 = arith.constant 0 : index
    %get3A_237 = arith.constant 0 : index
    %get3A_238 = vector.load %arg13[%get3A_236, %get3A_237] : memref<32x64xf32, #tpu.memory_space<vmem>>, vector<32x64xf32>
    %dot_general3A_239 = arith.constant dense<0.000000e+00> : vector<128x64xf32>
    %dot_general3A_240 = tpu.matmul %max3A_235, %get3A_238, %dot_general3A_239 {dimension_numbers = #tpu.dot_dimension_numbers<[1], [0], [0], [1], [0, 0, 1, 1], [], []>, transpose_lhs_hint = false} : vector<128x32xf32>, vector<32x64xf32>, vector<128x64xf32> -> vector<128x64xf32>
    %get3A_241 = arith.constant 0 : index
    %get3A_242 = arith.constant 0 : index
    %get3A_243 = vector.load %arg14[%get3A_241, %get3A_242] : memref<1x64xf32, #tpu.memory_space<vmem>>, vector<1x64xf32>
    %add3A_244 = vector.broadcast %get3A_243 : vector<1x64xf32> to vector<128x64xf32>
    %add3A_245 = arith.addf %dot_general3A_240, %add3A_244 : vector<128x64xf32>
    %swap3A = arith.constant 0 : index
    %swap3A_246 = arith.constant 0 : index
    %swap3A_247 = vector.load %arg15[%swap3A, %swap3A_246] : memref<128x64xf32, #tpu.memory_space<vmem>>, vector<128x64xf32>
    tpu.vector_store %arg15[%swap3A, %swap3A_246], %add3A_245 {strides = array<i32>} : memref<128x64xf32, #tpu.memory_space<vmem>>, vector<128x64xf32>,
    return
  }
}

</mosaic_0001>

<sc_bundles>
// kernel: kernel.12.cloned.1.call-start
scs
__scs_entry_jumppad:
0x0: {  	(pc) =	sbr.rel $0x88, $3  }
0x1: {  	(tag) =	ssettag $0x0;
	lr =	simm.s32 $0x1  }
0x2: {  	[smem:$0x3F80] =	sst lr;
	_ =	strace $0xD0000000  }
0x3: {  	_ = 	snop  }
0x4: {  	_ = 	snop  }
0x5: {  	_ = 	snop  }
0x6: {  	_ = 	snop  }
0x7: {  	_ = 	snop  }
__scs_overlays_trampoline_lowered:
0x8: {  	[smem:$0x3F8F] =	sst s0  }
0x9: {  	[smem:$0x3F90] =	sst s1  }
0xa: {  	[smem:$0x3F91] =	sst s2  }
0xb: {  	[smem:$0x3F92] =	sst s3  }
0xc: {  	[smem:$0x3F93] =	sst s4  }
0xd: {  	[smem:$0x3F94] =	sst s5  }
0xe: {  	[smem:$0x3F95] =	sst s6  }
0xf: {  	[smem:$0x3F96] =	sst s7  }
0x10: {  	[smem:$0x3F97] =	sst s8  }
0x11: {  	[smem:$0x3F98] =	sst s9;
	s0 =	simm.s32 @!p0 $0x0  }
0x12: {  	s1 =	sld [smem:$0x3F7E];
	s0 =	simm.s32 @p0 $0x1  }
0x13: {  	[smem:$0x3F99] =	sst s0;
	s0 =	simm.s32 @!p1 $0x0  }
0x14: {  	s2 =	sld [smem:$0x3F7D];
	s0 =	simm.s32 @p1 $0x1  }
0x15: {  	[smem:$0x3F9A] =	sst s0;
	s0 =	simm.s32 @!p2 $0x0  }
0x16: {  	s3 =	sld [smem:$0x3FDB];
	s0 =	simm.s32 @p2 $0x1  }
0x17: {  	s4 =	simm.s32 $0x1BF5;
	[smem:$0x3F9C] =	sst s0  }
0x18: {  	s0 =	sld [smem:$0x3F7F];
	_ =	swait.ge [sflag:s4], $0x0  }
0x19: {  	s7 =	sld [smem:$0x3F80]  }
0x1a: {  	s8 =	sadd.s32 $0xFFFFE003, lr  }
0x1b: {  	s9 =	sadd.s32 $0xFFFFFEF7, lr;
	s5 =	simm.s32 $0xFFFFFFFF;
	p2 =	slt.u32 s8, $0xFFFFF086  }
0x1c: {  	p1 =	slt.u32 s9, $0xF7A;
	s5 =	simm.s32 @!p2 $0x0  }
0x1d: {  	s5 =	simm.s32 @p1 $0x1;
	p0 =	seq.s32 s7, s2  }
0x1e: {  	s7 =	smul.u32 @!p0 $0xF7A, s2;
	p2 =	seq.s32 @!p0 s5, $0x0  }
0x1f: {  	s9 =	smul.u32 $0xF7A, s1;
	s8 =	simm.s32 @!p0 $0x1BF5;
	p2 =	por !p2, p0  }
0x20: {  	[sflag:s8] =	ssyncset.s32 @!p0 $0xFFFFF086;
	s6 =	sadd.s32 @!p0 s3, s7;
	s7 =	simm.s32 @!p0 $0x108  }
0x21: {  	s3 =	sadd.s32 s3, s9;
	s6 =	sadd.s32 @!p0 $0x88, s6;
	s7 =	simm.s32 @p2 $0x1082  }
0x22: {  	[simem:s7], [sflag:s8] =	dma.local @!p0 [hbm:s6], $0xF7A  }
0x23: {  	s9 =	sor.u32 $0xD0000000, s2;
	s6 =	simm.s32 $0x108;
	_ =	swait.ge @!p0 [sflag:s8], $0x0  }
0x24: {  	s3 =	sadd.s32 $0x88, s3;
	s6 =	simm.s32 @!p1 $0x1082;
	[sflag:s4] =	ssyncset.s32 $0xFFFFF086  }
0x25: {  	[simem:s6], [sflag:s4] =	dma.local [hbm:s3], $0xF7A  }
0x26: {  	[smem:$0x3F80] =	sst s1;
	(tag) =	ssettag s2;
	_ =	strace s9  }
0x27: {  	s1 =	sld [smem:$0x3F90]  }
0x28: {  	s2 =	sld [smem:$0x3F91]  }
0x29: {  	s4 =	sld [smem:$0x3F93]  }
0x2a: {  	p0 =	seq.s32 s5, $0x0;
	s5 =	sld [smem:$0x3F94]  }
0x2b: {  	s6 =	sld [smem:$0x3F95]  }
0x2c: {  	s7 =	sld [smem:$0x3F96]  }
0x2d: {  	s3 =	simm.s32 $0x108;
	s8 =	sld [smem:$0x3F97]  }
0x2e: {  	s3 =	simm.s32 @!p0 $0x1082;
	s9 =	sld [smem:$0x3F98]  }
0x2f: {  	lr =	sadd.s32 s0, s3;
	s0 =	sld [smem:$0x3F8F]  }
0x30: {  	s3 =	sld [smem:$0x3F92]  }
0x31: {  	[smem:$0x3F9B] =	sst s10  }
0x32: {  	s10 =	sld [smem:$0x3F99];
	_ =	sdelay $0x3  }
0x33: {  	p0 =	seq.s32 s10, $0x1;
	s10 =	sld [smem:$0x3F9B];
	_ =	sdelay $0x3  }
0x34: {  	[smem:$0x3F9B] =	sst s10  }
0x35: {  	s10 =	sld [smem:$0x3F9A];
	_ =	sdelay $0x3  }
0x36: {  	p1 =	seq.s32 s10, $0x1;
	s10 =	sld [smem:$0x3F9B];
	_ =	sdelay $0x3  }
0x37: {  	[smem:$0x3F9B] =	sst s10  }
0x38: {  	s10 =	sld [smem:$0x3F9C]  }
0x39: {  	_ = 	snop;
	(pc) =	sbr.ind lr, $3  }
0x3a: {  	_ = 	snop  }
0x3b: {  	_ = 	snop  }
0x3c: {  	p2 =	seq.s32 s10, $0x1;
	s10 =	sld [smem:$0x3F9B]  }
0x3d: {  	_ =	shalt  }
0x3e: {  	_ =	shalt  }
0x3f: {  	_ =	shalt  }
0x40: {  	_ =	shalt  }
0x41: {  	_ =	shalt  }
0x42: {  	_ =	shalt  }
0x43: {  	_ =	shalt  }
0x44: {  	_ =	shalt  }
0x45: {  	_ =	shalt  }
0x46: {  	_ =	shalt  }
0x47: {  	_ =	shalt  }
0x48: {  	_ =	shalt  }
0x49: {  	_ =	shalt  }
0x4a: {  	_ =	shalt  }
0x4b: {  	_ =	shalt  }
0x4c: {  	_ =	shalt  }
0x4d: {  	_ =	shalt  }
0x4e: {  	_ =	shalt  }
0x4f: {  	_ =	shalt  }
0x50: {  	_ =	shalt  }
0x51: {  	_ =	shalt  }
0x52: {  	_ =	shalt  }
0x53: {  	_ =	shalt  }
0x54: {  	_ =	shalt  }
0x55: {  	_ =	shalt  }
0x56: {  	_ =	shalt  }
0x57: {  	_ =	shalt  }
0x58: {  	_ =	shalt  }
0x59: {  	_ =	shalt  }
0x5a: {  	_ =	shalt  }
0x5b: {  	_ =	shalt  }
0x5c: {  	_ =	shalt  }
0x5d: {  	_ =	shalt  }
0x5e: {  	_ =	shalt  }
0x5f: {  	_ =	shalt  }
0x60: {  	_ =	shalt  }
0x61: {  	_ =	shalt  }
0x62: {  	_ =	shalt  }
0x63: {  	_ =	shalt  }
0x64: {  	_ =	shalt  }
0x65: {  	_ =	shalt  }
0x66: {  	_ =	shalt  }
0x67: {  	_ =	shalt  }
0x68: {  	_ =	shalt  }
0x69: {  	_ =	shalt  }
0x6a: {  	_ =	shalt  }
0x6b: {  	_ =	shalt  }
0x6c: {  	_ =	shalt  }
0x6d: {  	_ =	shalt  }
0x6e: {  	_ =	shalt  }
0x6f: {  	_ =	shalt  }
0x70: {  	_ =	shalt  }
0x71: {  	_ =	shalt  }
0x72: {  	_ =	shalt  }
0x73: {  	_ =	shalt  }
0x74: {  	_ =	shalt  }
0x75: {  	_ =	shalt  }
0x76: {  	_ =	shalt  }
0x77: {  	_ =	shalt  }
0x78: {  	_ =	shalt  }
0x79: {  	_ =	shalt  }
0x7a: {  	_ =	shalt  }
0x7b: {  	_ =	shalt  }
0x7c: {  	_ =	shalt  }
0x7d: {  	_ =	shalt  }
0x7e: {  	_ =	shalt  }
0x7f: {  	_ =	shalt  }
0x80: {  	_ =	shalt  }
0x81: {  	_ =	shalt  }
0x82: {  	_ =	shalt  }
0x83: {  	_ =	shalt  }
0x84: {  	_ =	shalt  }
0x85: {  	_ =	shalt  }
0x86: {  	_ =	shalt  }
0x87: {  	_ =	shalt  }
.Lfunc_end0:
.L_simem_size_0:
called_computation.1_lowered:
.L_overlay_start_0:
0x88: {  	s2 =	sld [smem:$0x3FD9]  }
0x89: {  	s3 =	sld [smem:$0x3FFE];
	_ =	sdelay $0x1  }
0x8a: {  	s1 =	srdreg.scid  }
0x8b: {  	s0 =	sand.u32 $0x1, s1  }
0x8c: {  	s16 =	sshll.u32 s0, $0xA;
	s2 =	sadd.s32 s3, s2  }
0x8d: {  	s2 =	sadd.s32 s2, s16  }
0x8e: {  	[smem:$0x3FA7] =	sst s2  }
0x8f: {  	_ = 	snop  }
0x90: {  	(tm) =	ssettm $0x1  }
0x91: {  	s17 =	sld [smem:$0x3FFB];
	_ =	sdelay $0x3  }
0x92: {  	_ =	strace s17  }
0x93: {  	s2 =	sld [smem:$0x3FFC];
	_ =	sdelay $0x3  }
0x94: {  	_ =	strace s2  }
0x95: {  	s2 =	sld [smem:$0x3FFD];
	_ =	sdelay $0x3  }
0x96: {  	_ =	strace s2  }
0x97: {  	_ =	strace $0x8FFFFFFF  }
0x98: {  	s18 =	sld [smem:$0x3FDB];
	_ =	sdelay $0x1  }
0x99: {  	s19 =	simm.s32 $_scs_section_size  }
0x9a: {  	s4 =	simm.s32 $_size__tile_overlayer_lowered;
	s5 =	simm.s32 $_tile_overlayer_lowered  }
0x9b: {  	s22 =	simm.s32 $0x1BFF;
	s21 =	sshll.u32 s5, $0x1;
	s2 =	sadd.s32 s19, s18  }
0x9c: {  	s6 =	simm.s32 $0x0;
	s20 =	sshll.u32 s4, $0x1;
	s4 =	sadd.s32 s21, s2  }
0x9d: {  	[timem:s6], [sflag:s22] =	dma.local [hbm:s4], s20  }
0x9e: {  	_ =	swait.ge [sflag:s22], s20  }
0x9f: {  	s3 =	ssub.s32 $0x0, s20;
	[sflag:s22] =	ssyncset.done $0x0  }
0xa0: {  	[sflag:s22] =	ssyncadd.s32 s3;
	_ =	sdelay $0x1  }
0xa1: {  	s23 =	simm.s32 $0x1B8B  }
0xa2: {  	_ =	swait.ge [sflag:s23], $0x1  }
0xa3: {  	[sflag:s23] =	ssyncset.done $0x0  }
0xa4: {  	s25 =	simm.s32 $0x1B8E;
	s24 =	sld [smem:$0x3FFE];
	[sflag:s23] =	ssyncadd.s32 $0xFFFFFFFF  }
0xa5: {  	s26 =	simm.s32 $execute0_lowered;
	[smem:$0x3FD2] =	sst s25  }
0xa6: {  	s4 =	sshll.u32 s26, $0x1;
	_ =	strace $0x80000049;
	[dreg:$0x1] =	wrdreg $0xFFFFFFFF  }
0xa7: {  	s28 =	simm.s32 $_size_execute0_lowered;
	s2 =	sadd.s32 s2, s4;
	[dreg:$0x0] =	wrdreg $0x0  }
0xa8: {  	s4 =	sshll.u32 s28, $0x1;
	[dreg:$0x2] =	wrdreg s2  }
0xa9: {  	[dreg:$0x3] =	wrdreg s4  }
0xaa: {  	[dreg:$0x4] =	wrdreg $0xC0  }
0xab: {  	_ =	task [dreg:s6], $0x5FFFF  }
0xac: {  	[dreg:$0x1] =	wrdreg $0xFFFFFFFF  }
0xad: {  	[dreg:$0x0] =	wrdreg $0x60  }
0xae: {  	[dreg:$0x2] =	wrdreg s24  }
0xaf: {  	[dreg:$0x3] =	wrdreg $0x0  }
0xb0: {  	[dreg:$0x4] =	wrdreg $0x9  }
0xb1: {  	_ =	task.clear_ibuf [dreg:s6], $0x5FFFF;
	_ =	strace $0x90000049  }
0xb2: {  	s29 =	simm.s32 $0x9;
	_ =	strace $0x8000004B  }
0xb3: {  	_ =	swait.ge [sflag:s29], $0x1  }
0xb4: {  	[sflag:s29] =	ssyncadd.s32 $0xFFFFFFFF  }
0xb5: {  	_ =	strace $0x9000004B  }
0xb6: {  	_ =	sfence  }
0xb7: {  	s30 =	sld [smem:$0x0];
	_ =	sdelay $0x2  }
0xb8: {  	s31 =	sshll.u32 s1, $0xD;
	s1 =	sshrl.u32 s1, $0x2  }
0xb9: {  	s3 =	sand.u32 $0x4000, s31;
	s1 =	sadd.s32 s1, s30  }
0xba: {  	s0 =	sor.u32 s3, s0;
	s1 =	sshll.u32 s1, $0x11  }
0xbb: {  	s0 =	sor.u32 s1, s0  }
0xbc: {  	s0 =	sadd.s32 $0x8F2B, s0  }
0xbd: {  	[sflag:s0] =	ssyncadd.remote.s32 $0x1  }
0xbe: {  	_ =	sfence.sel $0xFFFF  }
0xbf: {  	[dreg:$0x0] =	wrdreg $0xFFFFFFFF;
	(pc) =	sbr.abs _section_cstart, $3  }
0xc0: {  	[dreg:$0x1] =	wrdreg $0xFFFFFFFF  }
0xc1: {  	_ =	task.clear_ibuf [dreg:s6], $0x2FFFF;
	_ =	strace $0x9FFFFFFF  }
0xc2: {  	(tm) =	ssettm $0x7FFFFFFF  }
0xc3: {  	_ =	shalt  }
tec
execute0_lowered:
.L_overlay_start_1:
0x0: {  	(tag) =	ssettag $0x1  }
0x1: {  	s5 =	rddreg [dreg:$0x0]  }
0x2: {  	s1 =	rddreg [dreg:$0x1]  }
0x3: {  	s2 =	srdreg.scid;
	s0 =	rddreg [dreg:$0x2]  }
0x4: {  	s3 =	simm.s32 $0x0;
	s6 =	sand.u32 $0x1, s2;
	s2 =	stileid.u32  }
0x5: {  	[smem:$0x7FF] =	sst s3;
	s4 =	smul.u32 $0x27100, s6  }
0x6: {  	s13 =	sadd.s32 $0xB0C00, s5;
	s16 =	sadd.s32 $0x138000, s1;
	s8 =	smul.u32 $0x4E000, s2  }
0x7: {  	s7 =	sshll.u32 s2, $0x8;
	_ =	strace $0x8000004A;
	s9 =	smul.u32 $0x2710, s6  }
0x8: {  	s23 =	sshll.u32 s2, $0x5;
	s24 =	ssub.s32 $0x2, s6;
	s10 =	smul.u32 $0x270, s2  }
0x9: {  	s6 =	smul.u32 $0x138800, s6;
	s30 =	sshll.u32 s2, $0x6;
	p0 =	sne.s32 s2, $0xF  }
0xa: {  	s12 =	sadd.s32 s23, s5;
	s25 =	sshrl.u32 s24, $0x1;
	s7 =	sadd.s32 s7, s4  }
0xb: {  	s4 =	sadd.s32 $0x62A00, s5;
	s14 =	ssub.s32 s24, s25;
	s26 =	sshrl.u32 s8, $0x2  }
0xc: {  	s28 =	sadd.s32 s10, s9;
	s6 =	sshrl.u32 s6, $0x3;
	s12 =	sadd.s32 $0x5A00, s12  }
0xd: {  	s7 =	sshrl.u32 s7, $0x3;
	s15 =	sadd.s32 s26, s1;
	s29 =	sshll.u32 s28, $0x4  }
0xe: {  	s31 =	sadd.s32 $0x27000, s6;
	s6 =	sor.u32 $0x1C01, s30;
	s10 =	smax.u32 s14, $0x1  }
0xf: {  	s14 =	simm.s32 $0x1;
	s11 =	sadd.s32 s7, s5;
	s5 =	sadd.s32 s4, s29  }
0x10: {  	s7 =	sadd.s32 s4, s31;
	s8 =	sadd.s32 s13, s29;
	s9 =	sadd.s32 s13, s31  }
0x11: {  	s13 =	sshrl.u32 s15, $0x3;
	s15 =	sshrl.u32 @!p0 s16, $0x3;
	s11 =	sadd.s32 $0xAA00, s11  }
.LBB2_1:
0x12: {  	[spmem:s13], [sflag:s6] =	dma.local [hbm:s5], $0x2700  }
0x13: {  	_ =	swait.ge [sflag:s14], $0x2700  }
0x14: {  	[sflag:s14] =	ssyncset.done $0x0  }
0x15: {  	s16 =	simm.s32 @!p0 $0x1;
	[sflag:s14] =	ssyncadd.s32 $0xFFFFD900  }
0x16: {  	[spmem:s15], [sflag:s6] =	dma.local @!p0 [hbm:s7], $0x100  }
0x17: {  	_ =	swait.ge @!p0 [sflag:s16], $0x100  }
0x18: {  	p1 =	sgt.u32 s2, $0x270;
	[sflag:s16] =	ssyncset.done @!p0 $0x0  }
0x19: {  	s17 =	simm.s32 @!p1 $0x0;
	s18 =	simm.s32 @!p1 $0x13880;
	[sflag:s16] =	ssyncadd.s32 @!p0 $0xFFFFFF00  }
0x1a: {  	s19 =	simm.s32 @!p1 $0x2;
	s16 =	sadd.s32 @!p1 $0x0, s11;
	[bflag:$0x0] =	sbarrier.arrive $0xFFFF  }
0x1b: {  	[tilespmem:s18], [sflag:$0x2] =	stream.linear.gather @!p1 [hbm4b:s16+s17], $0x100, $0x38;
	[tilespmem:$0x1BA80] =	vst v63  }
0x1c: {  	_ =	swait.ge @!p1 [sflag:s19], $0x100  }
0x1d: {  	[sflag:s19] =	ssyncset.done @!p1 $0x0  }
0x1e: {  	s20 =	simm.s32 @!p1 $0x13980;
	s16 =	sadd.s32 @!p1 $0x0, s12;
	[sflag:s19] =	ssyncadd.s32 @!p1 $0xFFFFFF00  }
0x1f: {  	[tilespmem:s20], [sflag:$0x2] =	stream.linear.gather @!p1 [hbm4b:s16+s17], $0x100, $0x38;
	[tilespmem:$0x1BA80] =	vst v63  }
0x20: {  	_ =	swait.ge @!p1 [sflag:s19], $0x100;
	p1 =	por p1, p1  }
0x21: {  	[sflag:s19] =	ssyncset.done @!p1 $0x0  }
0x22: {  	s16 =	simm.s32 @!p1 $0x100;
	s17 =	simm.s32 @!p1 $0x13A80;
	[sflag:s19] =	ssyncadd.s32 @!p1 $0xFFFFFF00  }
0x23: {  	[tilespmem:s17], [sflag:$0x2] =	stream.indirect.gather @!p1 [hbm4b:s4+s16], $0x80, s18, s16, $0xb8;
	[tilespmem:$0x1BA80] =	vst v63  }
0x24: {  	_ =	swait.ge @!p1 [sflag:s19], $0x8000  }
0x25: {  	[sflag:s19] =	ssyncset.done @!p1 $0x0  }
0x26: {  	[sflag:s19] =	ssyncadd.s32 @!p1 $0xFFFF8000  }
0x27: {  	[spmem:s1] =	stream.indirect.scatter.add.f32 @!p1 [tilespmem:s17], [sflag:$0x1], $0x80, s20, s16, $0xb8;
	[tilespmem:$0x1BA80] =	vst v63  }
0x28: {  	s18 =	simm.s32 $0x400;
	s19 =	simm.s32 @!p1 $0x1;
	s17 =	sadd.s32 $0x10, s2  }
0x29: {  	s16 =	simm.s32 $0x200;
	p2 =	sgt.u32 s17, $0x270;
	_ =	swait.ge @!p1 [sflag:s19], $0x8000  }
.LBB2_2:
0x2a: {  	s20 =	sadd.s32 @!p2 s16, s11;
	s21 =	simm.s32 @!p2 $0x0;
	[sflag:s19] =	ssyncset.done @!p1 $0x0  }
0x2b: {  	s22 =	simm.s32 @!p2 $0x13880;
	s23 =	simm.s32 @!p2 $0x2;
	[sflag:s19] =	ssyncadd.s32 @!p1 $0xFFFF8000  }
0x2c: {  	[tilespmem:s22], [sflag:$0x2] =	stream.linear.gather @!p2 [hbm4b:s20+s21], $0x100, $0x38;
	[tilespmem:$0x1BA80] =	vst v63  }
0x2d: {  	s19 =	smov.u32 s18;
	s18 =	sadd.s32 $0x200, s18;
	_ =	swait.ge @!p2 [sflag:s23], $0x100  }
0x2e: {  	s24 =	simm.s32 @!p2 $0x13980;
	s20 =	sadd.s32 @!p2 s16, s12;
	[sflag:s23] =	ssyncset.done @!p2 $0x0  }
0x2f: {  	p3 =	sne.s32 s18, $0x5000;
	s16 =	smov.u32 s19;
	[sflag:s23] =	ssyncadd.s32 @!p2 $0xFFFFFF00  }
0x30: {  	[tilespmem:s24], [sflag:$0x2] =	stream.linear.gather @!p2 [hbm4b:s20+s21], $0x100, $0x38;
	[tilespmem:$0x1BA80] =	vst v63  }
0x31: {  	p1 =	por p2, p2;
	_ =	swait.ge @!p2 [sflag:s23], $0x100  }
0x32: {  	s20 =	simm.s32 @!p1 $0x100;
	s21 =	simm.s32 @!p1 $0x13A80;
	[sflag:s23] =	ssyncset.done @!p1 $0x0  }
0x33: {  	[sflag:s23] =	ssyncadd.s32 @!p1 $0xFFFFFF00  }
0x34: {  	[tilespmem:s21], [sflag:$0x2] =	stream.indirect.gather @!p1 [hbm4b:s4+s20], $0x80, s22, s20, $0xb8;
	[tilespmem:$0x1BA80] =	vst v63  }
.Ltmp0:
0x35: {  	_ =	swait.ge @!p1 [sflag:s23], $0x8000;
	(pc) =	sbr.rel @p3 .LBB2_2-.Ltmp0, $4  }
0x36: {  	[sflag:s23] =	ssyncset.done @!p1 $0x0  }
0x37: {  	s17 =	sadd.s32 $0x10, s17;
	s19 =	simm.s32 @!p1 $0x1;
	[sflag:s23] =	ssyncadd.s32 @!p1 $0xFFFF8000  }
0x38: {  	[spmem:s1] =	stream.indirect.scatter.add.f32 @!p1 [tilespmem:s21], [sflag:$0x1], $0x80, s24, s20, $0xb8;
	[tilespmem:$0x1BA80] =	vst v63  }
0x39: {  	p2 =	sgt.u32 s17, $0x270;
	_ =	swait.ge @!p1 [sflag:s19], $0x8000  }
0x3a: {  	s17 =	sadd.s32 @!p2 s16, s11;
	s18 =	simm.s32 @!p2 $0x0;
	[sflag:s19] =	ssyncset.done @!p1 $0x0  }
0x3b: {  	s20 =	simm.s32 @!p2 $0x13880;
	s21 =	simm.s32 @!p2 $0x2;
	[sflag:s19] =	ssyncadd.s32 @!p1 $0xFFFF8000  }
0x3c: {  	[tilespmem:s20], [sflag:$0x2] =	stream.linear.gather @!p2 [hbm4b:s17+s18], $0x100, $0x38;
	[tilespmem:$0x1BA80] =	vst v63  }
0x3d: {  	_ =	swait.ge @!p2 [sflag:s21], $0x100  }
0x3e: {  	[sflag:s21] =	ssyncset.done @!p2 $0x0  }
0x3f: {  	s16 =	sadd.s32 @!p2 s16, s12;
	s17 =	simm.s32 @!p2 $0x13980;
	[sflag:s21] =	ssyncadd.s32 @!p2 $0xFFFFFF00  }
0x40: {  	[tilespmem:s17], [sflag:$0x2] =	stream.linear.gather @!p2 [hbm4b:s16+s18], $0x100, $0x38;
	[tilespmem:$0x1BA80] =	vst v63  }
0x41: {  	p1 =	por p2, p2;
	_ =	swait.ge @!p2 [sflag:s21], $0x100  }
0x42: {  	[sflag:s21] =	ssyncset.done @!p1 $0x0  }
0x43: {  	s16 =	simm.s32 @!p1 $0x100;
	s18 =	simm.s32 @!p1 $0x13A80;
	[sflag:s21] =	ssyncadd.s32 @!p1 $0xFFFFFF00  }
0x44: {  	[tilespmem:s18], [sflag:$0x2] =	stream.indirect.gather @!p1 [hbm4b:s4+s16], $0x80, s20, s16, $0xb8;
	[tilespmem:$0x1BA80] =	vst v63  }
0x45: {  	_ =	swait.ge @!p1 [sflag:s21], $0x8000  }
0x46: {  	[sflag:s21] =	ssyncset.done @!p1 $0x0  }
0x47: {  	s19 =	simm.s32 @!p1 $0x1;
	[sflag:s21] =	ssyncadd.s32 @!p1 $0xFFFF8000  }
0x48: {  	[spmem:s1] =	stream.indirect.scatter.add.f32 @!p1 [tilespmem:s18], [sflag:$0x1], $0x80, s17, s16, $0xb8;
	[tilespmem:$0x1BA80] =	vst v63  }
0x49: {  	_ =	swait.ge @!p1 [sflag:s19], $0x8000  }
0x4a: {  	[sflag:s19] =	ssyncset.done @!p1 $0x0  }
0x4b: {  	[sflag:s19] =	ssyncadd.s32 @!p1 $0xFFFF8000  }
0x4c: {  	[bflag:$0x0] =	sbarrier.arrive $0xFFFF  }
0x4d: {  	[hbm:s8], [sflag:s6] =	dma.local [spmem:s13], $0x2700  }
0x4e: {  	s3 =	sadd.s32 $0x1, s3;
	_ =	swait.ge [sflag:s14], $0x2700  }
0x4f: {  	p1 =	sne.s32 s3, s10;
	[sflag:s14] =	ssyncset.done $0x0  }
.Ltmp1:
0x50: {  	s16 =	simm.s32 @!p0 $0x1;
	[sflag:s14] =	ssyncadd.s32 $0xFFFFD900;
	(pc) =	sbr.rel @p1 .LBB2_1-.Ltmp1, $4  }
0x51: {  	[hbm:s9], [sflag:s6] =	dma.local @!p0 [spmem:s15], $0x100  }
0x52: {  	_ =	swait.ge @!p0 [sflag:s16], $0x100  }
0x53: {  	[sflag:s16] =	ssyncset.done @!p0 $0x0  }
0x54: {  	[sflag:s16] =	ssyncadd.s32 @!p0 $0xFFFFFF00  }
0x55: {  	_ =	sfence.sel $0x180000  }
0x56: {  	[bflag:$0x0] =	sbarrier.arrive $0xFFFF  }
0x57: {  	p0 =	sne.s32 s2, $0x0;
	_ =	strace $0x9000004A  }
0x58: {  	s0 =	sadd.s32 @!p0 $0x100000, s0;
	[bflag:$0x2] =	sbarrier.arrive $0xFFFF  }
0x59: {  	[sflag:s0] =	ssyncadd.tile.s32 @!p0 $0x1;
	_ =	shalt  }
.Lfunc_end2:
_tile_overlayer_lowered:
.L_overlay_start_2:
0x5a: {  	(tag) =	ssettag $0x2  }
0x5b: {  	s0 =	rddreg [dreg:$0x0];
	s2 =	stileid.u32  }
0x5c: {  	s1 =	rddreg [dreg:$0x1];
	p0 =	sne.s32 s2, $0x0  }
0x5d: {  	s3 =	rddreg [dreg:$0x2];
	[bflag:$0x3] =	sbarrier.arrive $0xFFFF;
	s2 =	simm.s32 @!p0 $0x1C01  }
0x5e: {  	[timem:s3], [sflag:s2] =	dma.local @!p0 [hbm:s0], s1  }
0x5f: {  	s0 =	simm.s32 @!p0 $0x1  }
0x60: {  	_ =	swait.ge @!p0 [sflag:s0], s1  }
0x61: {  	s1 =	ssub.s32 @!p0 $0x0, s1;
	[sflag:s0] =	ssyncset.done @!p0 $0x0  }
0x62: {  	[sflag:s0] =	ssyncadd.s32 @!p0 s1  }
0x63: {  	[bflag:$0x3] =	sbarrier.arrive $0xFFFF  }
0x64: {  	_ =	shalt  }

// kernel: kernel.15.cloned.1.call-start
scs
__scs_entry_jumppad:
0x0: {  	(pc) =	sbr.rel $0x88, $3  }
0x1: {  	(tag) =	ssettag $0x0;
	lr =	simm.s32 $0x1  }
0x2: {  	[smem:$0x3F80] =	sst lr;
	_ =	strace $0xD0000000  }
0x3: {  	_ = 	snop  }
0x4: {  	_ = 	snop  }
0x5: {  	_ = 	snop  }
0x6: {  	_ = 	snop  }
0x7: {  	_ = 	snop  }
__scs_overlays_trampoline_lowered:
0x8: {  	[smem:$0x3F8F] =	sst s0  }
0x9: {  	[smem:$0x3F90] =	sst s1  }
0xa: {  	[smem:$0x3F91] =	sst s2  }
0xb: {  	[smem:$0x3F92] =	sst s3  }
0xc: {  	[smem:$0x3F93] =	sst s4  }
0xd: {  	[smem:$0x3F94] =	sst s5  }
0xe: {  	[smem:$0x3F95] =	sst s6  }
0xf: {  	[smem:$0x3F96] =	sst s7  }
0x10: {  	[smem:$0x3F97] =	sst s8  }
0x11: {  	[smem:$0x3F98] =	sst s9;
	s0 =	simm.s32 @!p0 $0x0  }
0x12: {  	s1 =	sld [smem:$0x3F7E];
	s0 =	simm.s32 @p0 $0x1  }
0x13: {  	[smem:$0x3F99] =	sst s0;
	s0 =	simm.s32 @!p1 $0x0  }
0x14: {  	s2 =	sld [smem:$0x3F7D];
	s0 =	simm.s32 @p1 $0x1  }
0x15: {  	[smem:$0x3F9A] =	sst s0;
	s0 =	simm.s32 @!p2 $0x0  }
0x16: {  	s3 =	sld [smem:$0x3FDB];
	s0 =	simm.s32 @p2 $0x1  }
0x17: {  	s4 =	simm.s32 $0x1BF5;
	[smem:$0x3F9C] =	sst s0  }
0x18: {  	s0 =	sld [smem:$0x3F7F];
	_ =	swait.ge [sflag:s4], $0x0  }
0x19: {  	s7 =	sld [smem:$0x3F80]  }
0x1a: {  	s8 =	sadd.s32 $0xFFFFE003, lr  }
0x1b: {  	s9 =	sadd.s32 $0xFFFFFEF7, lr;
	s5 =	simm.s32 $0xFFFFFFFF;
	p2 =	slt.u32 s8, $0xFFFFF086  }
0x1c: {  	p1 =	slt.u32 s9, $0xF7A;
	s5 =	simm.s32 @!p2 $0x0  }
0x1d: {  	s5 =	simm.s32 @p1 $0x1;
	p0 =	seq.s32 s7, s2  }
0x1e: {  	s7 =	smul.u32 @!p0 $0xF7A, s2;
	p2 =	seq.s32 @!p0 s5, $0x0  }
0x1f: {  	s9 =	smul.u32 $0xF7A, s1;
	s8 =	simm.s32 @!p0 $0x1BF5;
	p2 =	por !p2, p0  }
0x20: {  	[sflag:s8] =	ssyncset.s32 @!p0 $0xFFFFF086;
	s6 =	sadd.s32 @!p0 s3, s7;
	s7 =	simm.s32 @!p0 $0x108  }
0x21: {  	s3 =	sadd.s32 s3, s9;
	s6 =	sadd.s32 @!p0 $0x88, s6;
	s7 =	simm.s32 @p2 $0x1082  }
0x22: {  	[simem:s7], [sflag:s8] =	dma.local @!p0 [hbm:s6], $0xF7A  }
0x23: {  	s9 =	sor.u32 $0xD0000000, s2;
	s6 =	simm.s32 $0x108;
	_ =	swait.ge @!p0 [sflag:s8], $0x0  }
0x24: {  	s3 =	sadd.s32 $0x88, s3;
	s6 =	simm.s32 @!p1 $0x1082;
	[sflag:s4] =	ssyncset.s32 $0xFFFFF086  }
0x25: {  	[simem:s6], [sflag:s4] =	dma.local [hbm:s3], $0xF7A  }
0x26: {  	[smem:$0x3F80] =	sst s1;
	(tag) =	ssettag s2;
	_ =	strace s9  }
0x27: {  	s1 =	sld [smem:$0x3F90]  }
0x28: {  	s2 =	sld [smem:$0x3F91]  }
0x29: {  	s4 =	sld [smem:$0x3F93]  }
0x2a: {  	p0 =	seq.s32 s5, $0x0;
	s5 =	sld [smem:$0x3F94]  }
0x2b: {  	s6 =	sld [smem:$0x3F95]  }
0x2c: {  	s7 =	sld [smem:$0x3F96]  }
0x2d: {  	s3 =	simm.s32 $0x108;
	s8 =	sld [smem:$0x3F97]  }
0x2e: {  	s3 =	simm.s32 @!p0 $0x1082;
	s9 =	sld [smem:$0x3F98]  }
0x2f: {  	lr =	sadd.s32 s0, s3;
	s0 =	sld [smem:$0x3F8F]  }
0x30: {  	s3 =	sld [smem:$0x3F92]  }
0x31: {  	[smem:$0x3F9B] =	sst s10  }
0x32: {  	s10 =	sld [smem:$0x3F99];
	_ =	sdelay $0x3  }
0x33: {  	p0 =	seq.s32 s10, $0x1;
	s10 =	sld [smem:$0x3F9B];
	_ =	sdelay $0x3  }
0x34: {  	[smem:$0x3F9B] =	sst s10  }
0x35: {  	s10 =	sld [smem:$0x3F9A];
	_ =	sdelay $0x3  }
0x36: {  	p1 =	seq.s32 s10, $0x1;
	s10 =	sld [smem:$0x3F9B];
	_ =	sdelay $0x3  }
0x37: {  	[smem:$0x3F9B] =	sst s10  }
0x38: {  	s10 =	sld [smem:$0x3F9C]  }
0x39: {  	_ = 	snop;
	(pc) =	sbr.ind lr, $3  }
0x3a: {  	_ = 	snop  }
0x3b: {  	_ = 	snop  }
0x3c: {  	p2 =	seq.s32 s10, $0x1;
	s10 =	sld [smem:$0x3F9B]  }
0x3d: {  	_ =	shalt  }
0x3e: {  	_ =	shalt  }
0x3f: {  	_ =	shalt  }
0x40: {  	_ =	shalt  }
0x41: {  	_ =	shalt  }
0x42: {  	_ =	shalt  }
0x43: {  	_ =	shalt  }
0x44: {  	_ =	shalt  }
0x45: {  	_ =	shalt  }
0x46: {  	_ =	shalt  }
0x47: {  	_ =	shalt  }
0x48: {  	_ =	shalt  }
0x49: {  	_ =	shalt  }
0x4a: {  	_ =	shalt  }
0x4b: {  	_ =	shalt  }
0x4c: {  	_ =	shalt  }
0x4d: {  	_ =	shalt  }
0x4e: {  	_ =	shalt  }
0x4f: {  	_ =	shalt  }
0x50: {  	_ =	shalt  }
0x51: {  	_ =	shalt  }
0x52: {  	_ =	shalt  }
0x53: {  	_ =	shalt  }
0x54: {  	_ =	shalt  }
0x55: {  	_ =	shalt  }
0x56: {  	_ =	shalt  }
0x57: {  	_ =	shalt  }
0x58: {  	_ =	shalt  }
0x59: {  	_ =	shalt  }
0x5a: {  	_ =	shalt  }
0x5b: {  	_ =	shalt  }
0x5c: {  	_ =	shalt  }
0x5d: {  	_ =	shalt  }
0x5e: {  	_ =	shalt  }
0x5f: {  	_ =	shalt  }
0x60: {  	_ =	shalt  }
0x61: {  	_ =	shalt  }
0x62: {  	_ =	shalt  }
0x63: {  	_ =	shalt  }
0x64: {  	_ =	shalt  }
0x65: {  	_ =	shalt  }
0x66: {  	_ =	shalt  }
0x67: {  	_ =	shalt  }
0x68: {  	_ =	shalt  }
0x69: {  	_ =	shalt  }
0x6a: {  	_ =	shalt  }
0x6b: {  	_ =	shalt  }
0x6c: {  	_ =	shalt  }
0x6d: {  	_ =	shalt  }
0x6e: {  	_ =	shalt  }
0x6f: {  	_ =	shalt  }
0x70: {  	_ =	shalt  }
0x71: {  	_ =	shalt  }
0x72: {  	_ =	shalt  }
0x73: {  	_ =	shalt  }
0x74: {  	_ =	shalt  }
0x75: {  	_ =	shalt  }
0x76: {  	_ =	shalt  }
0x77: {  	_ =	shalt  }
0x78: {  	_ =	shalt  }
0x79: {  	_ =	shalt  }
0x7a: {  	_ =	shalt  }
0x7b: {  	_ =	shalt  }
0x7c: {  	_ =	shalt  }
0x7d: {  	_ =	shalt  }
0x7e: {  	_ =	shalt  }
0x7f: {  	_ =	shalt  }
0x80: {  	_ =	shalt  }
0x81: {  	_ =	shalt  }
0x82: {  	_ =	shalt  }
0x83: {  	_ =	shalt  }
0x84: {  	_ =	shalt  }
0x85: {  	_ =	shalt  }
0x86: {  	_ =	shalt  }
0x87: {  	_ =	shalt  }
.Lfunc_end0:
.L_simem_size_0:
called_computation.2_lowered:
.L_overlay_start_0:
0x88: {  	s2 =	sld [smem:$0x3FD9]  }
0x89: {  	s3 =	sld [smem:$0x3FFE];
	_ =	sdelay $0x1  }
0x8a: {  	s1 =	srdreg.scid  }
0x8b: {  	s0 =	sand.u32 $0x1, s1  }
0x8c: {  	s16 =	sshll.u32 s0, $0xA;
	s2 =	sadd.s32 s3, s2  }
0x8d: {  	s2 =	sadd.s32 s2, s16  }
0x8e: {  	[smem:$0x3FA7] =	sst s2  }
0x8f: {  	_ = 	snop  }
0x90: {  	(tm) =	ssettm $0x1  }
0x91: {  	s17 =	sld [smem:$0x3FFB];
	_ =	sdelay $0x3  }
0x92: {  	_ =	strace s17  }
0x93: {  	s2 =	sld [smem:$0x3FFC];
	_ =	sdelay $0x3  }
0x94: {  	_ =	strace s2  }
0x95: {  	s2 =	sld [smem:$0x3FFD];
	_ =	sdelay $0x3  }
0x96: {  	_ =	strace s2  }
0x97: {  	_ =	strace $0x8FFFFFFF  }
0x98: {  	s18 =	sld [smem:$0x3FDB];
	_ =	sdelay $0x1  }
0x99: {  	s19 =	simm.s32 $_scs_section_size  }
0x9a: {  	s4 =	simm.s32 $_size__tile_overlayer_lowered;
	s5 =	simm.s32 $_tile_overlayer_lowered  }
0x9b: {  	s22 =	simm.s32 $0x1BFF;
	s21 =	sshll.u32 s5, $0x1;
	s2 =	sadd.s32 s19, s18  }
0x9c: {  	s6 =	simm.s32 $0x0;
	s20 =	sshll.u32 s4, $0x1;
	s4 =	sadd.s32 s21, s2  }
0x9d: {  	[timem:s6], [sflag:s22] =	dma.local [hbm:s4], s20  }
0x9e: {  	_ =	swait.ge [sflag:s22], s20  }
0x9f: {  	s3 =	ssub.s32 $0x0, s20;
	[sflag:s22] =	ssyncset.done $0x0  }
0xa0: {  	[sflag:s22] =	ssyncadd.s32 s3;
	_ =	sdelay $0x1  }
0xa1: {  	s23 =	simm.s32 $0x1B8B  }
0xa2: {  	_ =	swait.ge [sflag:s23], $0x1  }
0xa3: {  	[sflag:s23] =	ssyncset.done $0x0  }
0xa4: {  	s25 =	simm.s32 $0x1B8E;
	s24 =	sld [smem:$0x3FFE];
	[sflag:s23] =	ssyncadd.s32 $0xFFFFFFFF  }
0xa5: {  	s26 =	simm.s32 $execute0_lowered;
	[smem:$0x3FD2] =	sst s25  }
0xa6: {  	s4 =	sshll.u32 s26, $0x1;
	_ =	strace $0x8000004C;
	[dreg:$0x1] =	wrdreg $0xFFFFFFFF  }
0xa7: {  	s28 =	simm.s32 $_size_execute0_lowered;
	s2 =	sadd.s32 s2, s4;
	[dreg:$0x0] =	wrdreg $0x0  }
0xa8: {  	s4 =	sshll.u32 s28, $0x1;
	[dreg:$0x2] =	wrdreg s2  }
0xa9: {  	[dreg:$0x3] =	wrdreg s4  }
0xaa: {  	[dreg:$0x4] =	wrdreg $0xC0  }
0xab: {  	_ =	task [dreg:s6], $0x5FFFF  }
0xac: {  	[dreg:$0x1] =	wrdreg $0xFFFFFFFF  }
0xad: {  	[dreg:$0x0] =	wrdreg $0x60  }
0xae: {  	[dreg:$0x2] =	wrdreg s24  }
0xaf: {  	[dreg:$0x3] =	wrdreg $0x0  }
0xb0: {  	[dreg:$0x4] =	wrdreg $0x9  }
0xb1: {  	_ =	task.clear_ibuf [dreg:s6], $0x5FFFF;
	_ =	strace $0x9000004C  }
0xb2: {  	s29 =	simm.s32 $0x9;
	_ =	strace $0x8000004E  }
0xb3: {  	_ =	swait.ge [sflag:s29], $0x1  }
0xb4: {  	[sflag:s29] =	ssyncadd.s32 $0xFFFFFFFF  }
0xb5: {  	_ =	strace $0x9000004E  }
0xb6: {  	_ =	sfence  }
0xb7: {  	s30 =	sld [smem:$0x0];
	_ =	sdelay $0x2  }
0xb8: {  	s31 =	sshll.u32 s1, $0xD;
	s1 =	sshrl.u32 s1, $0x2  }
0xb9: {  	s3 =	sand.u32 $0x4000, s31;
	s1 =	sadd.s32 s1, s30  }
0xba: {  	s0 =	sor.u32 s3, s0;
	s1 =	sshll.u32 s1, $0x11  }
0xbb: {  	s0 =	sor.u32 s1, s0  }
0xbc: {  	s0 =	sadd.s32 $0x8F2B, s0  }
0xbd: {  	[sflag:s0] =	ssyncadd.remote.s32 $0x1  }
0xbe: {  	_ =	sfence.sel $0xFFFF  }
0xbf: {  	[dreg:$0x0] =	wrdreg $0xFFFFFFFF;
	(pc) =	sbr.abs _section_cstart, $3  }
0xc0: {  	[dreg:$0x1] =	wrdreg $0xFFFFFFFF  }
0xc1: {  	_ =	task.clear_ibuf [dreg:s6], $0x2FFFF;
	_ =	strace $0x9FFFFFFF  }
0xc2: {  	(tm) =	ssettm $0x7FFFFFFF  }
0xc3: {  	_ =	shalt  }
tec
execute0_lowered:
.L_overlay_start_1:
0x0: {  	(tag) =	ssettag $0x1  }
0x1: {  	s5 =	rddreg [dreg:$0x0]  }
0x2: {  	s1 =	rddreg [dreg:$0x1]  }
0x3: {  	s2 =	srdreg.scid;
	s0 =	rddreg [dreg:$0x2]  }
0x4: {  	s3 =	simm.s32 $0x0;
	s6 =	sand.u32 $0x1, s2;
	s2 =	stileid.u32  }
0x5: {  	[smem:$0x7FF] =	sst s3;
	s4 =	smul.u32 $0x27100, s6  }
0x6: {  	s13 =	sadd.s32 $0xB0C00, s5;
	s16 =	sadd.s32 $0x138000, s1;
	s8 =	smul.u32 $0x4E000, s2  }
0x7: {  	s7 =	sshll.u32 s2, $0x8;
	_ =	strace $0x8000004D;
	s9 =	smul.u32 $0x2710, s6  }
0x8: {  	s23 =	sshll.u32 s2, $0x5;
	s24 =	ssub.s32 $0x2, s6;
	s10 =	smul.u32 $0x270, s2  }
0x9: {  	s6 =	smul.u32 $0x138800, s6;
	s30 =	sshll.u32 s2, $0x6;
	p0 =	sne.s32 s2, $0xF  }
0xa: {  	s12 =	sadd.s32 s23, s5;
	s25 =	sshrl.u32 s24, $0x1;
	s7 =	sadd.s32 s7, s4  }
0xb: {  	s4 =	sadd.s32 $0x62A00, s5;
	s14 =	ssub.s32 s24, s25;
	s26 =	sshrl.u32 s8, $0x2  }
0xc: {  	s28 =	sadd.s32 s10, s9;
	s6 =	sshrl.u32 s6, $0x3;
	s12 =	sadd.s32 $0x5A00, s12  }
0xd: {  	s7 =	sshrl.u32 s7, $0x3;
	s15 =	sadd.s32 s26, s1;
	s29 =	sshll.u32 s28, $0x4  }
0xe: {  	s31 =	sadd.s32 $0x27000, s6;
	s6 =	sor.u32 $0x1C01, s30;
	s10 =	smax.u32 s14, $0x1  }
0xf: {  	s14 =	simm.s32 $0x1;
	s11 =	sadd.s32 s7, s5;
	s5 =	sadd.s32 s4, s29  }
0x10: {  	s7 =	sadd.s32 s4, s31;
	s8 =	sadd.s32 s13, s29;
	s9 =	sadd.s32 s13, s31  }
0x11: {  	s13 =	sshrl.u32 s15, $0x3;
	s15 =	sshrl.u32 @!p0 s16, $0x3;
	s11 =	sadd.s32 $0xAA00, s11  }
.LBB2_1:
0x12: {  	[spmem:s13], [sflag:s6] =	dma.local [hbm:s5], $0x2700  }
0x13: {  	_ =	swait.ge [sflag:s14], $0x2700  }
0x14: {  	[sflag:s14] =	ssyncset.done $0x0  }
0x15: {  	s16 =	simm.s32 @!p0 $0x1;
	[sflag:s14] =	ssyncadd.s32 $0xFFFFD900  }
0x16: {  	[spmem:s15], [sflag:s6] =	dma.local @!p0 [hbm:s7], $0x100  }
0x17: {  	_ =	swait.ge @!p0 [sflag:s16], $0x100  }
0x18: {  	p1 =	sgt.u32 s2, $0x270;
	[sflag:s16] =	ssyncset.done @!p0 $0x0  }
0x19: {  	s17 =	simm.s32 @!p1 $0x0;
	s18 =	simm.s32 @!p1 $0x13880;
	[sflag:s16] =	ssyncadd.s32 @!p0 $0xFFFFFF00  }
0x1a: {  	s19 =	simm.s32 @!p1 $0x2;
	s16 =	sadd.s32 @!p1 $0x0, s11;
	[bflag:$0x0] =	sbarrier.arrive $0xFFFF  }
0x1b: {  	[tilespmem:s18], [sflag:$0x2] =	stream.linear.gather @!p1 [hbm4b:s16+s17], $0x100, $0x38;
	[tilespmem:$0x1BA80] =	vst v63  }
0x1c: {  	_ =	swait.ge @!p1 [sflag:s19], $0x100  }
0x1d: {  	[sflag:s19] =	ssyncset.done @!p1 $0x0  }
0x1e: {  	s20 =	simm.s32 @!p1 $0x13980;
	s16 =	sadd.s32 @!p1 $0x0, s12;
	[sflag:s19] =	ssyncadd.s32 @!p1 $0xFFFFFF00  }
0x1f: {  	[tilespmem:s20], [sflag:$0x2] =	stream.linear.gather @!p1 [hbm4b:s16+s17], $0x100, $0x38;
	[tilespmem:$0x1BA80] =	vst v63  }
0x20: {  	_ =	swait.ge @!p1 [sflag:s19], $0x100;
	p1 =	por p1, p1  }
0x21: {  	[sflag:s19] =	ssyncset.done @!p1 $0x0  }
0x22: {  	s16 =	simm.s32 @!p1 $0x100;
	s17 =	simm.s32 @!p1 $0x13A80;
	[sflag:s19] =	ssyncadd.s32 @!p1 $0xFFFFFF00  }
0x23: {  	[tilespmem:s17], [sflag:$0x2] =	stream.indirect.gather @!p1 [hbm4b:s4+s16], $0x80, s18, s16, $0xb8;
	[tilespmem:$0x1BA80] =	vst v63  }
0x24: {  	_ =	swait.ge @!p1 [sflag:s19], $0x8000  }
0x25: {  	[sflag:s19] =	ssyncset.done @!p1 $0x0  }
0x26: {  	[sflag:s19] =	ssyncadd.s32 @!p1 $0xFFFF8000  }
0x27: {  	[spmem:s1] =	stream.indirect.scatter.add.f32 @!p1 [tilespmem:s17], [sflag:$0x1], $0x80, s20, s16, $0xb8;
	[tilespmem:$0x1BA80] =	vst v63  }
0x28: {  	s18 =	simm.s32 $0x400;
	s19 =	simm.s32 @!p1 $0x1;
	s17 =	sadd.s32 $0x10, s2  }
0x29: {  	s16 =	simm.s32 $0x200;
	p2 =	sgt.u32 s17, $0x270;
	_ =	swait.ge @!p1 [sflag:s19], $0x8000  }
.LBB2_2:
0x2a: {  	s20 =	sadd.s32 @!p2 s16, s11;
	s21 =	simm.s32 @!p2 $0x0;
	[sflag:s19] =	ssyncset.done @!p1 $0x0  }
0x2b: {  	s22 =	simm.s32 @!p2 $0x13880;
	s23 =	simm.s32 @!p2 $0x2;
	[sflag:s19] =	ssyncadd.s32 @!p1 $0xFFFF8000  }
0x2c: {  	[tilespmem:s22], [sflag:$0x2] =	stream.linear.gather @!p2 [hbm4b:s20+s21], $0x100, $0x38;
	[tilespmem:$0x1BA80] =	vst v63  }
0x2d: {  	s19 =	smov.u32 s18;
	s18 =	sadd.s32 $0x200, s18;
	_ =	swait.ge @!p2 [sflag:s23], $0x100  }
0x2e: {  	s24 =	simm.s32 @!p2 $0x13980;
	s20 =	sadd.s32 @!p2 s16, s12;
	[sflag:s23] =	ssyncset.done @!p2 $0x0  }
0x2f: {  	p3 =	sne.s32 s18, $0x5000;
	s16 =	smov.u32 s19;
	[sflag:s23] =	ssyncadd.s32 @!p2 $0xFFFFFF00  }
0x30: {  	[tilespmem:s24], [sflag:$0x2] =	stream.linear.gather @!p2 [hbm4b:s20+s21], $0x100, $0x38;
	[tilespmem:$0x1BA80] =	vst v63  }
0x31: {  	p1 =	por p2, p2;
	_ =	swait.ge @!p2 [sflag:s23], $0x100  }
0x32: {  	s20 =	simm.s32 @!p1 $0x100;
	s21 =	simm.s32 @!p1 $0x13A80;
	[sflag:s23] =	ssyncset.done @!p1 $0x0  }
0x33: {  	[sflag:s23] =	ssyncadd.s32 @!p1 $0xFFFFFF00  }
0x34: {  	[tilespmem:s21], [sflag:$0x2] =	stream.indirect.gather @!p1 [hbm4b:s4+s20], $0x80, s22, s20, $0xb8;
	[tilespmem:$0x1BA80] =	vst v63  }
.Ltmp0:
0x35: {  	_ =	swait.ge @!p1 [sflag:s23], $0x8000;
	(pc) =	sbr.rel @p3 .LBB2_2-.Ltmp0, $4  }
0x36: {  	[sflag:s23] =	ssyncset.done @!p1 $0x0  }
0x37: {  	s17 =	sadd.s32 $0x10, s17;
	s19 =	simm.s32 @!p1 $0x1;
	[sflag:s23] =	ssyncadd.s32 @!p1 $0xFFFF8000  }
0x38: {  	[spmem:s1] =	stream.indirect.scatter.add.f32 @!p1 [tilespmem:s21], [sflag:$0x1], $0x80, s24, s20, $0xb8;
	[tilespmem:$0x1BA80] =	vst v63  }
0x39: {  	p2 =	sgt.u32 s17, $0x270;
	_ =	swait.ge @!p1 [sflag:s19], $0x8000  }
0x3a: {  	s17 =	sadd.s32 @!p2 s16, s11;
	s18 =	simm.s32 @!p2 $0x0;
	[sflag:s19] =	ssyncset.done @!p1 $0x0  }
0x3b: {  	s20 =	simm.s32 @!p2 $0x13880;
	s21 =	simm.s32 @!p2 $0x2;
	[sflag:s19] =	ssyncadd.s32 @!p1 $0xFFFF8000  }
0x3c: {  	[tilespmem:s20], [sflag:$0x2] =	stream.linear.gather @!p2 [hbm4b:s17+s18], $0x100, $0x38;
	[tilespmem:$0x1BA80] =	vst v63  }
0x3d: {  	_ =	swait.ge @!p2 [sflag:s21], $0x100  }
0x3e: {  	[sflag:s21] =	ssyncset.done @!p2 $0x0  }
0x3f: {  	s16 =	sadd.s32 @!p2 s16, s12;
	s17 =	simm.s32 @!p2 $0x13980;
	[sflag:s21] =	ssyncadd.s32 @!p2 $0xFFFFFF00  }
0x40: {  	[tilespmem:s17], [sflag:$0x2] =	stream.linear.gather @!p2 [hbm4b:s16+s18], $0x100, $0x38;
	[tilespmem:$0x1BA80] =	vst v63  }
0x41: {  	p1 =	por p2, p2;
	_ =	swait.ge @!p2 [sflag:s21], $0x100  }
0x42: {  	[sflag:s21] =	ssyncset.done @!p1 $0x0  }
0x43: {  	s16 =	simm.s32 @!p1 $0x100;
	s18 =	simm.s32 @!p1 $0x13A80;
	[sflag:s21] =	ssyncadd.s32 @!p1 $0xFFFFFF00  }
0x44: {  	[tilespmem:s18], [sflag:$0x2] =	stream.indirect.gather @!p1 [hbm4b:s4+s16], $0x80, s20, s16, $0xb8;
	[tilespmem:$0x1BA80] =	vst v63  }
0x45: {  	_ =	swait.ge @!p1 [sflag:s21], $0x8000  }
0x46: {  	[sflag:s21] =	ssyncset.done @!p1 $0x0  }
0x47: {  	s19 =	simm.s32 @!p1 $0x1;
	[sflag:s21] =	ssyncadd.s32 @!p1 $0xFFFF8000  }
0x48: {  	[spmem:s1] =	stream.indirect.scatter.add.f32 @!p1 [tilespmem:s18], [sflag:$0x1], $0x80, s17, s16, $0xb8;
	[tilespmem:$0x1BA80] =	vst v63  }
0x49: {  	_ =	swait.ge @!p1 [sflag:s19], $0x8000  }
0x4a: {  	[sflag:s19] =	ssyncset.done @!p1 $0x0  }
0x4b: {  	[sflag:s19] =	ssyncadd.s32 @!p1 $0xFFFF8000  }
0x4c: {  	[bflag:$0x0] =	sbarrier.arrive $0xFFFF  }
0x4d: {  	[hbm:s8], [sflag:s6] =	dma.local [spmem:s13], $0x2700  }
0x4e: {  	s3 =	sadd.s32 $0x1, s3;
	_ =	swait.ge [sflag:s14], $0x2700  }
0x4f: {  	p1 =	sne.s32 s3, s10;
	[sflag:s14] =	ssyncset.done $0x0  }
.Ltmp1:
0x50: {  	s16 =	simm.s32 @!p0 $0x1;
	[sflag:s14] =	ssyncadd.s32 $0xFFFFD900;
	(pc) =	sbr.rel @p1 .LBB2_1-.Ltmp1, $4  }
0x51: {  	[hbm:s9], [sflag:s6] =	dma.local @!p0 [spmem:s15], $0x100  }
0x52: {  	_ =	swait.ge @!p0 [sflag:s16], $0x100  }
0x53: {  	[sflag:s16] =	ssyncset.done @!p0 $0x0  }
0x54: {  	[sflag:s16] =	ssyncadd.s32 @!p0 $0xFFFFFF00  }
0x55: {  	_ =	sfence.sel $0x180000  }
0x56: {  	[bflag:$0x0] =	sbarrier.arrive $0xFFFF  }
0x57: {  	p0 =	sne.s32 s2, $0x0;
	_ =	strace $0x9000004D  }
0x58: {  	s0 =	sadd.s32 @!p0 $0x100000, s0;
	[bflag:$0x2] =	sbarrier.arrive $0xFFFF  }
0x59: {  	[sflag:s0] =	ssyncadd.tile.s32 @!p0 $0x1;
	_ =	shalt  }
.Lfunc_end2:
_tile_overlayer_lowered:
.L_overlay_start_2:
0x5a: {  	(tag) =	ssettag $0x2  }
0x5b: {  	s0 =	rddreg [dreg:$0x0];
	s2 =	stileid.u32  }
0x5c: {  	s1 =	rddreg [dreg:$0x1];
	p0 =	sne.s32 s2, $0x0  }
0x5d: {  	s3 =	rddreg [dreg:$0x2];
	[bflag:$0x3] =	sbarrier.arrive $0xFFFF;
	s2 =	simm.s32 @!p0 $0x1C01  }
0x5e: {  	[timem:s3], [sflag:s2] =	dma.local @!p0 [hbm:s0], s1  }
0x5f: {  	s0 =	simm.s32 @!p0 $0x1  }
0x60: {  	_ =	swait.ge @!p0 [sflag:s0], s1  }
0x61: {  	s1 =	ssub.s32 @!p0 $0x0, s1;
	[sflag:s0] =	ssyncset.done @!p0 $0x0  }
0x62: {  	[sflag:s0] =	ssyncadd.s32 @!p0 s1  }
0x63: {  	[bflag:$0x3] =	sbarrier.arrive $0xFFFF  }
0x64: {  	_ =	shalt  }

// kernel: kernel.9.cloned.1.call-start
scs
__scs_entry_jumppad:
0x0: {  	(pc) =	sbr.rel $0x88, $3  }
0x1: {  	(tag) =	ssettag $0x0;
	lr =	simm.s32 $0x1  }
0x2: {  	[smem:$0x3F80] =	sst lr;
	_ =	strace $0xD0000000  }
0x3: {  	_ = 	snop  }
0x4: {  	_ = 	snop  }
0x5: {  	_ = 	snop  }
0x6: {  	_ = 	snop  }
0x7: {  	_ = 	snop  }
__scs_overlays_trampoline_lowered:
0x8: {  	[smem:$0x3F8F] =	sst s0  }
0x9: {  	[smem:$0x3F90] =	sst s1  }
0xa: {  	[smem:$0x3F91] =	sst s2  }
0xb: {  	[smem:$0x3F92] =	sst s3  }
0xc: {  	[smem:$0x3F93] =	sst s4  }
0xd: {  	[smem:$0x3F94] =	sst s5  }
0xe: {  	[smem:$0x3F95] =	sst s6  }
0xf: {  	[smem:$0x3F96] =	sst s7  }
0x10: {  	[smem:$0x3F97] =	sst s8  }
0x11: {  	[smem:$0x3F98] =	sst s9;
	s0 =	simm.s32 @!p0 $0x0  }
0x12: {  	s1 =	sld [smem:$0x3F7E];
	s0 =	simm.s32 @p0 $0x1  }
0x13: {  	[smem:$0x3F99] =	sst s0;
	s0 =	simm.s32 @!p1 $0x0  }
0x14: {  	s2 =	sld [smem:$0x3F7D];
	s0 =	simm.s32 @p1 $0x1  }
0x15: {  	[smem:$0x3F9A] =	sst s0;
	s0 =	simm.s32 @!p2 $0x0  }
0x16: {  	s3 =	sld [smem:$0x3FDB];
	s0 =	simm.s32 @p2 $0x1  }
0x17: {  	s4 =	simm.s32 $0x1BF5;
	[smem:$0x3F9C] =	sst s0  }
0x18: {  	s0 =	sld [smem:$0x3F7F];
	_ =	swait.ge [sflag:s4], $0x0  }
0x19: {  	s7 =	sld [smem:$0x3F80]  }
0x1a: {  	s8 =	sadd.s32 $0xFFFFE003, lr  }
0x1b: {  	s9 =	sadd.s32 $0xFFFFFEF7, lr;
	s5 =	simm.s32 $0xFFFFFFFF;
	p2 =	slt.u32 s8, $0xFFFFF086  }
0x1c: {  	p1 =	slt.u32 s9, $0xF7A;
	s5 =	simm.s32 @!p2 $0x0  }
0x1d: {  	s5 =	simm.s32 @p1 $0x1;
	p0 =	seq.s32 s7, s2  }
0x1e: {  	s7 =	smul.u32 @!p0 $0xF7A, s2;
	p2 =	seq.s32 @!p0 s5, $0x0  }
0x1f: {  	s9 =	smul.u32 $0xF7A, s1;
	s8 =	simm.s32 @!p0 $0x1BF5;
	p2 =	por !p2, p0  }
0x20: {  	[sflag:s8] =	ssyncset.s32 @!p0 $0xFFFFF086;
	s6 =	sadd.s32 @!p0 s3, s7;
	s7 =	simm.s32 @!p0 $0x108  }
0x21: {  	s3 =	sadd.s32 s3, s9;
	s6 =	sadd.s32 @!p0 $0x88, s6;
	s7 =	simm.s32 @p2 $0x1082  }
0x22: {  	[simem:s7], [sflag:s8] =	dma.local @!p0 [hbm:s6], $0xF7A  }
0x23: {  	s9 =	sor.u32 $0xD0000000, s2;
	s6 =	simm.s32 $0x108;
	_ =	swait.ge @!p0 [sflag:s8], $0x0  }
0x24: {  	s3 =	sadd.s32 $0x88, s3;
	s6 =	simm.s32 @!p1 $0x1082;
	[sflag:s4] =	ssyncset.s32 $0xFFFFF086  }
0x25: {  	[simem:s6], [sflag:s4] =	dma.local [hbm:s3], $0xF7A  }
0x26: {  	[smem:$0x3F80] =	sst s1;
	(tag) =	ssettag s2;
	_ =	strace s9  }
0x27: {  	s1 =	sld [smem:$0x3F90]  }
0x28: {  	s2 =	sld [smem:$0x3F91]  }
0x29: {  	s4 =	sld [smem:$0x3F93]  }
0x2a: {  	p0 =	seq.s32 s5, $0x0;
	s5 =	sld [smem:$0x3F94]  }
0x2b: {  	s6 =	sld [smem:$0x3F95]  }
0x2c: {  	s7 =	sld [smem:$0x3F96]  }
0x2d: {  	s3 =	simm.s32 $0x108;
	s8 =	sld [smem:$0x3F97]  }
0x2e: {  	s3 =	simm.s32 @!p0 $0x1082;
	s9 =	sld [smem:$0x3F98]  }
0x2f: {  	lr =	sadd.s32 s0, s3;
	s0 =	sld [smem:$0x3F8F]  }
0x30: {  	s3 =	sld [smem:$0x3F92]  }
0x31: {  	[smem:$0x3F9B] =	sst s10  }
0x32: {  	s10 =	sld [smem:$0x3F99];
	_ =	sdelay $0x3  }
0x33: {  	p0 =	seq.s32 s10, $0x1;
	s10 =	sld [smem:$0x3F9B];
	_ =	sdelay $0x3  }
0x34: {  	[smem:$0x3F9B] =	sst s10  }
0x35: {  	s10 =	sld [smem:$0x3F9A];
	_ =	sdelay $0x3  }
0x36: {  	p1 =	seq.s32 s10, $0x1;
	s10 =	sld [smem:$0x3F9B];
	_ =	sdelay $0x3  }
0x37: {  	[smem:$0x3F9B] =	sst s10  }
0x38: {  	s10 =	sld [smem:$0x3F9C]  }
0x39: {  	_ = 	snop;
	(pc) =	sbr.ind lr, $3  }
0x3a: {  	_ = 	snop  }
0x3b: {  	_ = 	snop  }
0x3c: {  	p2 =	seq.s32 s10, $0x1;
	s10 =	sld [smem:$0x3F9B]  }
0x3d: {  	_ =	shalt  }
0x3e: {  	_ =	shalt  }
0x3f: {  	_ =	shalt  }
0x40: {  	_ =	shalt  }
0x41: {  	_ =	shalt  }
0x42: {  	_ =	shalt  }
0x43: {  	_ =	shalt  }
0x44: {  	_ =	shalt  }
0x45: {  	_ =	shalt  }
0x46: {  	_ =	shalt  }
0x47: {  	_ =	shalt  }
0x48: {  	_ =	shalt  }
0x49: {  	_ =	shalt  }
0x4a: {  	_ =	shalt  }
0x4b: {  	_ =	shalt  }
0x4c: {  	_ =	shalt  }
0x4d: {  	_ =	shalt  }
0x4e: {  	_ =	shalt  }
0x4f: {  	_ =	shalt  }
0x50: {  	_ =	shalt  }
0x51: {  	_ =	shalt  }
0x52: {  	_ =	shalt  }
0x53: {  	_ =	shalt  }
0x54: {  	_ =	shalt  }
0x55: {  	_ =	shalt  }
0x56: {  	_ =	shalt  }
0x57: {  	_ =	shalt  }
0x58: {  	_ =	shalt  }
0x59: {  	_ =	shalt  }
0x5a: {  	_ =	shalt  }
0x5b: {  	_ =	shalt  }
0x5c: {  	_ =	shalt  }
0x5d: {  	_ =	shalt  }
0x5e: {  	_ =	shalt  }
0x5f: {  	_ =	shalt  }
0x60: {  	_ =	shalt  }
0x61: {  	_ =	shalt  }
0x62: {  	_ =	shalt  }
0x63: {  	_ =	shalt  }
0x64: {  	_ =	shalt  }
0x65: {  	_ =	shalt  }
0x66: {  	_ =	shalt  }
0x67: {  	_ =	shalt  }
0x68: {  	_ =	shalt  }
0x69: {  	_ =	shalt  }
0x6a: {  	_ =	shalt  }
0x6b: {  	_ =	shalt  }
0x6c: {  	_ =	shalt  }
0x6d: {  	_ =	shalt  }
0x6e: {  	_ =	shalt  }
0x6f: {  	_ =	shalt  }
0x70: {  	_ =	shalt  }
0x71: {  	_ =	shalt  }
0x72: {  	_ =	shalt  }
0x73: {  	_ =	shalt  }
0x74: {  	_ =	shalt  }
0x75: {  	_ =	shalt  }
0x76: {  	_ =	shalt  }
0x77: {  	_ =	shalt  }
0x78: {  	_ =	shalt  }
0x79: {  	_ =	shalt  }
0x7a: {  	_ =	shalt  }
0x7b: {  	_ =	shalt  }
0x7c: {  	_ =	shalt  }
0x7d: {  	_ =	shalt  }
0x7e: {  	_ =	shalt  }
0x7f: {  	_ =	shalt  }
0x80: {  	_ =	shalt  }
0x81: {  	_ =	shalt  }
0x82: {  	_ =	shalt  }
0x83: {  	_ =	shalt  }
0x84: {  	_ =	shalt  }
0x85: {  	_ =	shalt  }
0x86: {  	_ =	shalt  }
0x87: {  	_ =	shalt  }
.Lfunc_end0:
.L_simem_size_0:
called_computation_lowered:
.L_overlay_start_0:
0x88: {  	s2 =	sld [smem:$0x3FD9]  }
0x89: {  	s3 =	sld [smem:$0x3FFE];
	_ =	sdelay $0x1  }
0x8a: {  	s1 =	srdreg.scid  }
0x8b: {  	s0 =	sand.u32 $0x1, s1  }
0x8c: {  	s16 =	sshll.u32 s0, $0xA;
	s2 =	sadd.s32 s3, s2  }
0x8d: {  	s2 =	sadd.s32 s2, s16  }
0x8e: {  	[smem:$0x3FA7] =	sst s2  }
0x8f: {  	_ = 	snop  }
0x90: {  	(tm) =	ssettm $0x1  }
0x91: {  	s17 =	sld [smem:$0x3FFB];
	_ =	sdelay $0x3  }
0x92: {  	_ =	strace s17  }
0x93: {  	s2 =	sld [smem:$0x3FFC];
	_ =	sdelay $0x3  }
0x94: {  	_ =	strace s2  }
0x95: {  	s2 =	sld [smem:$0x3FFD];
	_ =	sdelay $0x3  }
0x96: {  	_ =	strace s2  }
0x97: {  	_ =	strace $0x8FFFFFFF  }
0x98: {  	s18 =	sld [smem:$0x3FDB];
	_ =	sdelay $0x1  }
0x99: {  	s19 =	simm.s32 $_scs_section_size  }
0x9a: {  	s4 =	simm.s32 $_size__tile_overlayer_lowered;
	s5 =	simm.s32 $_tile_overlayer_lowered  }
0x9b: {  	s22 =	simm.s32 $0x1BFF;
	s21 =	sshll.u32 s5, $0x1;
	s2 =	sadd.s32 s19, s18  }
0x9c: {  	s6 =	simm.s32 $0x0;
	s20 =	sshll.u32 s4, $0x1;
	s4 =	sadd.s32 s21, s2  }
0x9d: {  	[timem:s6], [sflag:s22] =	dma.local [hbm:s4], s20  }
0x9e: {  	_ =	swait.ge [sflag:s22], s20  }
0x9f: {  	s3 =	ssub.s32 $0x0, s20;
	[sflag:s22] =	ssyncset.done $0x0  }
0xa0: {  	[sflag:s22] =	ssyncadd.s32 s3;
	_ =	sdelay $0x1  }
0xa1: {  	s23 =	simm.s32 $0x1B8B  }
0xa2: {  	_ =	swait.ge [sflag:s23], $0x1  }
0xa3: {  	[sflag:s23] =	ssyncset.done $0x0  }
0xa4: {  	s25 =	simm.s32 $0x1B8E;
	s24 =	sld [smem:$0x3FFE];
	[sflag:s23] =	ssyncadd.s32 $0xFFFFFFFF  }
0xa5: {  	s26 =	simm.s32 $execute0_lowered;
	[smem:$0x3FD2] =	sst s25  }
0xa6: {  	s4 =	sshll.u32 s26, $0x1;
	_ =	strace $0x80000046;
	[dreg:$0x1] =	wrdreg $0xFFFFFFFF  }
0xa7: {  	s28 =	simm.s32 $_size_execute0_lowered;
	s2 =	sadd.s32 s2, s4;
	[dreg:$0x0] =	wrdreg $0x0  }
0xa8: {  	s4 =	sshll.u32 s28, $0x1;
	[dreg:$0x2] =	wrdreg s2  }
0xa9: {  	[dreg:$0x3] =	wrdreg s4  }
0xaa: {  	[dreg:$0x4] =	wrdreg $0xC0  }
0xab: {  	_ =	task [dreg:s6], $0x5FFFF  }
0xac: {  	[dreg:$0x1] =	wrdreg $0xFFFFFFFF  }
0xad: {  	[dreg:$0x0] =	wrdreg $0x60  }
0xae: {  	[dreg:$0x2] =	wrdreg s24  }
0xaf: {  	[dreg:$0x3] =	wrdreg $0x0  }
0xb0: {  	[dreg:$0x4] =	wrdreg $0x9  }
0xb1: {  	_ =	task.clear_ibuf [dreg:s6], $0x5FFFF;
	_ =	strace $0x90000046  }
0xb2: {  	s29 =	simm.s32 $0x9;
	_ =	strace $0x80000048  }
0xb3: {  	_ =	swait.ge [sflag:s29], $0x1  }
0xb4: {  	[sflag:s29] =	ssyncadd.s32 $0xFFFFFFFF  }
0xb5: {  	_ =	strace $0x90000048  }
0xb6: {  	_ =	sfence  }
0xb7: {  	s30 =	sld [smem:$0x0];
	_ =	sdelay $0x2  }
0xb8: {  	s31 =	sshll.u32 s1, $0xD;
	s1 =	sshrl.u32 s1, $0x2  }
0xb9: {  	s3 =	sand.u32 $0x4000, s31;
	s1 =	sadd.s32 s1, s30  }
0xba: {  	s0 =	sor.u32 s3, s0;
	s1 =	sshll.u32 s1, $0x11  }
0xbb: {  	s0 =	sor.u32 s1, s0  }
0xbc: {  	s0 =	sadd.s32 $0x8F2B, s0  }
0xbd: {  	[sflag:s0] =	ssyncadd.remote.s32 $0x1  }
0xbe: {  	_ =	sfence.sel $0xFFFF  }
0xbf: {  	[dreg:$0x0] =	wrdreg $0xFFFFFFFF;
	(pc) =	sbr.abs _section_cstart, $3  }
0xc0: {  	[dreg:$0x1] =	wrdreg $0xFFFFFFFF  }
0xc1: {  	_ =	task.clear_ibuf [dreg:s6], $0x2FFFF;
	_ =	strace $0x9FFFFFFF  }
0xc2: {  	(tm) =	ssettm $0x7FFFFFFF  }
0xc3: {  	_ =	shalt  }
tec
execute0_lowered:
.L_overlay_start_1:
0x0: {  	(tag) =	ssettag $0x1  }
0x1: {  	s5 =	rddreg [dreg:$0x0]  }
0x2: {  	s1 =	rddreg [dreg:$0x1]  }
0x3: {  	s2 =	srdreg.scid;
	s0 =	rddreg [dreg:$0x2]  }
0x4: {  	s3 =	simm.s32 $0x0;
	s6 =	sand.u32 $0x1, s2;
	s2 =	stileid.u32  }
0x5: {  	[smem:$0x7FF] =	sst s3;
	s4 =	smul.u32 $0x27100, s6  }
0x6: {  	s13 =	sadd.s32 $0x62A00, s5;
	s16 =	sadd.s32 $0x138000, s1;
	s8 =	smul.u32 $0x4E000, s2  }
0x7: {  	s7 =	sshll.u32 s2, $0x8;
	_ =	strace $0x80000047;
	s9 =	smul.u32 $0x2710, s6  }
0x8: {  	s23 =	sshll.u32 s2, $0x5;
	s24 =	ssub.s32 $0x2, s6;
	s10 =	smul.u32 $0x270, s2  }
0x9: {  	s6 =	smul.u32 $0x138800, s6;
	s30 =	sshll.u32 s2, $0x6;
	p0 =	sne.s32 s2, $0xF  }
0xa: {  	s12 =	sadd.s32 s23, s5;
	s25 =	sshrl.u32 s24, $0x1;
	s7 =	sadd.s32 s7, s4  }
0xb: {  	s4 =	sadd.s32 $0x14800, s5;
	s14 =	ssub.s32 s24, s25;
	s26 =	sshrl.u32 s8, $0x2  }
0xc: {  	s28 =	sadd.s32 s10, s9;
	s6 =	sshrl.u32 s6, $0x3;
	s12 =	sadd.s32 $0x5A00, s12  }
0xd: {  	s7 =	sshrl.u32 s7, $0x3;
	s15 =	sadd.s32 s26, s1;
	s29 =	sshll.u32 s28, $0x4  }
0xe: {  	s31 =	sadd.s32 $0x27000, s6;
	s6 =	sor.u32 $0x1C01, s30;
	s10 =	smax.u32 s14, $0x1  }
0xf: {  	s14 =	simm.s32 $0x1;
	s11 =	sadd.s32 s7, s5;
	s5 =	sadd.s32 s4, s29  }
0x10: {  	s7 =	sadd.s32 s4, s31;
	s8 =	sadd.s32 s13, s29;
	s9 =	sadd.s32 s13, s31  }
0x11: {  	s13 =	sshrl.u32 s15, $0x3;
	s15 =	sshrl.u32 @!p0 s16, $0x3;
	s11 =	sadd.s32 $0xAA00, s11  }
.LBB2_1:
0x12: {  	[spmem:s13], [sflag:s6] =	dma.local [hbm:s5], $0x2700  }
0x13: {  	_ =	swait.ge [sflag:s14], $0x2700  }
0x14: {  	[sflag:s14] =	ssyncset.done $0x0  }
0x15: {  	s16 =	simm.s32 @!p0 $0x1;
	[sflag:s14] =	ssyncadd.s32 $0xFFFFD900  }
0x16: {  	[spmem:s15], [sflag:s6] =	dma.local @!p0 [hbm:s7], $0x100  }
0x17: {  	_ =	swait.ge @!p0 [sflag:s16], $0x100  }
0x18: {  	p1 =	sgt.u32 s2, $0x270;
	[sflag:s16] =	ssyncset.done @!p0 $0x0  }
0x19: {  	s17 =	simm.s32 @!p1 $0x0;
	s18 =	simm.s32 @!p1 $0x13880;
	[sflag:s16] =	ssyncadd.s32 @!p0 $0xFFFFFF00  }
0x1a: {  	s19 =	simm.s32 @!p1 $0x2;
	s16 =	sadd.s32 @!p1 $0x0, s11;
	[bflag:$0x0] =	sbarrier.arrive $0xFFFF  }
0x1b: {  	[tilespmem:s18], [sflag:$0x2] =	stream.linear.gather @!p1 [hbm4b:s16+s17], $0x100, $0x38;
	[tilespmem:$0x1BA80] =	vst v63  }
0x1c: {  	_ =	swait.ge @!p1 [sflag:s19], $0x100  }
0x1d: {  	[sflag:s19] =	ssyncset.done @!p1 $0x0  }
0x1e: {  	s20 =	simm.s32 @!p1 $0x13980;
	s16 =	sadd.s32 @!p1 $0x0, s12;
	[sflag:s19] =	ssyncadd.s32 @!p1 $0xFFFFFF00  }
0x1f: {  	[tilespmem:s20], [sflag:$0x2] =	stream.linear.gather @!p1 [hbm4b:s16+s17], $0x100, $0x38;
	[tilespmem:$0x1BA80] =	vst v63  }
0x20: {  	_ =	swait.ge @!p1 [sflag:s19], $0x100;
	p1 =	por p1, p1  }
0x21: {  	[sflag:s19] =	ssyncset.done @!p1 $0x0  }
0x22: {  	s16 =	simm.s32 @!p1 $0x100;
	s17 =	simm.s32 @!p1 $0x13A80;
	[sflag:s19] =	ssyncadd.s32 @!p1 $0xFFFFFF00  }
0x23: {  	[tilespmem:s17], [sflag:$0x2] =	stream.indirect.gather @!p1 [hbm4b:s4+s16], $0x80, s18, s16, $0xb8;
	[tilespmem:$0x1BA80] =	vst v63  }
0x24: {  	_ =	swait.ge @!p1 [sflag:s19], $0x8000  }
0x25: {  	[sflag:s19] =	ssyncset.done @!p1 $0x0  }
0x26: {  	[sflag:s19] =	ssyncadd.s32 @!p1 $0xFFFF8000  }
0x27: {  	[spmem:s1] =	stream.indirect.scatter.add.f32 @!p1 [tilespmem:s17], [sflag:$0x1], $0x80, s20, s16, $0xb8;
	[tilespmem:$0x1BA80] =	vst v63  }
0x28: {  	s18 =	simm.s32 $0x400;
	s19 =	simm.s32 @!p1 $0x1;
	s17 =	sadd.s32 $0x10, s2  }
0x29: {  	s16 =	simm.s32 $0x200;
	p2 =	sgt.u32 s17, $0x270;
	_ =	swait.ge @!p1 [sflag:s19], $0x8000  }
.LBB2_2:
0x2a: {  	s20 =	sadd.s32 @!p2 s16, s11;
	s21 =	simm.s32 @!p2 $0x0;
	[sflag:s19] =	ssyncset.done @!p1 $0x0  }
0x2b: {  	s22 =	simm.s32 @!p2 $0x13880;
	s23 =	simm.s32 @!p2 $0x2;
	[sflag:s19] =	ssyncadd.s32 @!p1 $0xFFFF8000  }
0x2c: {  	[tilespmem:s22], [sflag:$0x2] =	stream.linear.gather @!p2 [hbm4b:s20+s21], $0x100, $0x38;
	[tilespmem:$0x1BA80] =	vst v63  }
0x2d: {  	s19 =	smov.u32 s18;
	s18 =	sadd.s32 $0x200, s18;
	_ =	swait.ge @!p2 [sflag:s23], $0x100  }
0x2e: {  	s24 =	simm.s32 @!p2 $0x13980;
	s20 =	sadd.s32 @!p2 s16, s12;
	[sflag:s23] =	ssyncset.done @!p2 $0x0  }
0x2f: {  	p3 =	sne.s32 s18, $0x5000;
	s16 =	smov.u32 s19;
	[sflag:s23] =	ssyncadd.s32 @!p2 $0xFFFFFF00  }
0x30: {  	[tilespmem:s24], [sflag:$0x2] =	stream.linear.gather @!p2 [hbm4b:s20+s21], $0x100, $0x38;
	[tilespmem:$0x1BA80] =	vst v63  }
0x31: {  	p1 =	por p2, p2;
	_ =	swait.ge @!p2 [sflag:s23], $0x100  }
0x32: {  	s20 =	simm.s32 @!p1 $0x100;
	s21 =	simm.s32 @!p1 $0x13A80;
	[sflag:s23] =	ssyncset.done @!p1 $0x0  }
0x33: {  	[sflag:s23] =	ssyncadd.s32 @!p1 $0xFFFFFF00  }
0x34: {  	[tilespmem:s21], [sflag:$0x2] =	stream.indirect.gather @!p1 [hbm4b:s4+s20], $0x80, s22, s20, $0xb8;
	[tilespmem:$0x1BA80] =	vst v63  }
.Ltmp0:
0x35: {  	_ =	swait.ge @!p1 [sflag:s23], $0x8000;
	(pc) =	sbr.rel @p3 .LBB2_2-.Ltmp0, $4  }
0x36: {  	[sflag:s23] =	ssyncset.done @!p1 $0x0  }
0x37: {  	s17 =	sadd.s32 $0x10, s17;
	s19 =	simm.s32 @!p1 $0x1;
	[sflag:s23] =	ssyncadd.s32 @!p1 $0xFFFF8000  }
0x38: {  	[spmem:s1] =	stream.indirect.scatter.add.f32 @!p1 [tilespmem:s21], [sflag:$0x1], $0x80, s24, s20, $0xb8;
	[tilespmem:$0x1BA80] =	vst v63  }
0x39: {  	p2 =	sgt.u32 s17, $0x270;
	_ =	swait.ge @!p1 [sflag:s19], $0x8000  }
0x3a: {  	s17 =	sadd.s32 @!p2 s16, s11;
	s18 =	simm.s32 @!p2 $0x0;
	[sflag:s19] =	ssyncset.done @!p1 $0x0  }
0x3b: {  	s20 =	simm.s32 @!p2 $0x13880;
	s21 =	simm.s32 @!p2 $0x2;
	[sflag:s19] =	ssyncadd.s32 @!p1 $0xFFFF8000  }
0x3c: {  	[tilespmem:s20], [sflag:$0x2] =	stream.linear.gather @!p2 [hbm4b:s17+s18], $0x100, $0x38;
	[tilespmem:$0x1BA80] =	vst v63  }
0x3d: {  	_ =	swait.ge @!p2 [sflag:s21], $0x100  }
0x3e: {  	[sflag:s21] =	ssyncset.done @!p2 $0x0  }
0x3f: {  	s16 =	sadd.s32 @!p2 s16, s12;
	s17 =	simm.s32 @!p2 $0x13980;
	[sflag:s21] =	ssyncadd.s32 @!p2 $0xFFFFFF00  }
0x40: {  	[tilespmem:s17], [sflag:$0x2] =	stream.linear.gather @!p2 [hbm4b:s16+s18], $0x100, $0x38;
	[tilespmem:$0x1BA80] =	vst v63  }
0x41: {  	p1 =	por p2, p2;
	_ =	swait.ge @!p2 [sflag:s21], $0x100  }
0x42: {  	[sflag:s21] =	ssyncset.done @!p1 $0x0  }
0x43: {  	s16 =	simm.s32 @!p1 $0x100;
	s18 =	simm.s32 @!p1 $0x13A80;
	[sflag:s21] =	ssyncadd.s32 @!p1 $0xFFFFFF00  }
0x44: {  	[tilespmem:s18], [sflag:$0x2] =	stream.indirect.gather @!p1 [hbm4b:s4+s16], $0x80, s20, s16, $0xb8;
	[tilespmem:$0x1BA80] =	vst v63  }
0x45: {  	_ =	swait.ge @!p1 [sflag:s21], $0x8000  }
0x46: {  	[sflag:s21] =	ssyncset.done @!p1 $0x0  }
0x47: {  	s19 =	simm.s32 @!p1 $0x1;
	[sflag:s21] =	ssyncadd.s32 @!p1 $0xFFFF8000  }
0x48: {  	[spmem:s1] =	stream.indirect.scatter.add.f32 @!p1 [tilespmem:s18], [sflag:$0x1], $0x80, s17, s16, $0xb8;
	[tilespmem:$0x1BA80] =	vst v63  }
0x49: {  	_ =	swait.ge @!p1 [sflag:s19], $0x8000  }
0x4a: {  	[sflag:s19] =	ssyncset.done @!p1 $0x0  }
0x4b: {  	[sflag:s19] =	ssyncadd.s32 @!p1 $0xFFFF8000  }
0x4c: {  	[bflag:$0x0] =	sbarrier.arrive $0xFFFF  }
0x4d: {  	[hbm:s8], [sflag:s6] =	dma.local [spmem:s13], $0x2700  }
0x4e: {  	s3 =	sadd.s32 $0x1, s3;
	_ =	swait.ge [sflag:s14], $0x2700  }
0x4f: {  	p1 =	sne.s32 s3, s10;
	[sflag:s14] =	ssyncset.done $0x0  }
.Ltmp1:
0x50: {  	s16 =	simm.s32 @!p0 $0x1;
	[sflag:s14] =	ssyncadd.s32 $0xFFFFD900;
	(pc) =	sbr.rel @p1 .LBB2_1-.Ltmp1, $4  }
0x51: {  	[hbm:s9], [sflag:s6] =	dma.local @!p0 [spmem:s15], $0x100  }
0x52: {  	_ =	swait.ge @!p0 [sflag:s16], $0x100  }
0x53: {  	[sflag:s16] =	ssyncset.done @!p0 $0x0  }
0x54: {  	[sflag:s16] =	ssyncadd.s32 @!p0 $0xFFFFFF00  }
0x55: {  	_ =	sfence.sel $0x180000  }
0x56: {  	[bflag:$0x0] =	sbarrier.arrive $0xFFFF  }
0x57: {  	p0 =	sne.s32 s2, $0x0;
	_ =	strace $0x90000047  }
0x58: {  	s0 =	sadd.s32 @!p0 $0x100000, s0;
	[bflag:$0x2] =	sbarrier.arrive $0xFFFF  }
0x59: {  	[sflag:s0] =	ssyncadd.tile.s32 @!p0 $0x1;
	_ =	shalt  }
.Lfunc_end2:
_tile_overlayer_lowered:
.L_overlay_start_2:
0x5a: {  	(tag) =	ssettag $0x2  }
0x5b: {  	s0 =	rddreg [dreg:$0x0];
	s2 =	stileid.u32  }
0x5c: {  	s1 =	rddreg [dreg:$0x1];
	p0 =	sne.s32 s2, $0x0  }
0x5d: {  	s3 =	rddreg [dreg:$0x2];
	[bflag:$0x3] =	sbarrier.arrive $0xFFFF;
	s2 =	simm.s32 @!p0 $0x1C01  }
0x5e: {  	[timem:s3], [sflag:s2] =	dma.local @!p0 [hbm:s0], s1  }
0x5f: {  	s0 =	simm.s32 @!p0 $0x1  }
0x60: {  	_ =	swait.ge @!p0 [sflag:s0], s1  }
0x61: {  	s1 =	ssub.s32 @!p0 $0x0, s1;
	[sflag:s0] =	ssyncset.done @!p0 $0x0  }
0x62: {  	[sflag:s0] =	ssyncadd.s32 @!p0 s1  }
0x63: {  	[bflag:$0x3] =	sbarrier.arrive $0xFFFF  }
0x64: {  	_ =	shalt  }

</sc_bundles>
